<compile_context>
chip_gen: v7x
topology: tpu7x:2x2x1
jax: 0.10.2.dev20260603
libtpu: 0.0.44.dev20260713+nightly
codegen_flags: <defaults>
</compile_context>

<pallas_src>
import functools

import jax
import jax.numpy as jnp
from jax import lax
from jax.experimental import pallas as pl
from jax.experimental.pallas import tpu as pltpu
from jax.experimental.pallas import tpu_sc as plsc

NC = 2
NS = 16
NW = NC * NS
G = 128
GPB = 4
NBUF = 3


@functools.lru_cache(maxsize=None)
def _build(B, V, D):
    n = B // NW
    ng = n // G
    rows_per_buf = G * GPB
    n_steps = ng // GPB
    assert n_steps >= NBUF + 1

    mesh = plsc.VectorSubcoreMesh(
        core_axis_name="c", subcore_axis_name="s",
        num_cores=NC, num_subcores=NS)

    @functools.partial(
        pl.kernel,
        mesh=mesh,
        compiler_params=pltpu.CompilerParams(use_tc_tiling_on_sc=False),
        out_type=jax.ShapeDtypeStruct((B, D), jnp.float32),
        scratch_types=[
            pltpu.VMEM((n,), jnp.int32),
            pltpu.VMEM((NBUF, rows_per_buf, D), jnp.float32),
            pltpu.SemaphoreType.DMA,
            pltpu.SemaphoreType.DMA,
            pltpu.SemaphoreType.DMA,
            pltpu.SemaphoreType.DMA,
            pltpu.SemaphoreType.DMA,
            pltpu.SemaphoreType.DMA,
        ],
    )
    def emb(idx_hbm, table_hbm, out_hbm, idx_v, rows_v, g0, g1, g2, o0, o1, o2):
        gsem = (g0, g1, g2)
        osem = (o0, o1, o2)
        wid = lax.axis_index("s") * NC + lax.axis_index("c")
        row_base = wid * n

        pltpu.sync_copy(idx_hbm.at[pl.ds(row_base, n)], idx_v)

        def fire_gathers(step, b):
            for j in range(GPB):
                pltpu.async_copy(
                    table_hbm.at[idx_v.at[pl.ds((step * GPB + j) * G, G)]],
                    rows_v.at[b, pl.ds(j * G, G)],
                    gsem[b])

        def wait_gathers(b):
            pltpu.make_async_copy(
                out_hbm.at[pl.ds(0, rows_per_buf)], rows_v.at[b],
                gsem[b]).wait()

        def fire_out(step, b):
            pltpu.async_copy(
                rows_v.at[b],
                out_hbm.at[pl.ds(row_base + step * rows_per_buf, rows_per_buf)],
                osem[b])

        def wait_out(b):
            pltpu.make_async_copy(
                out_hbm.at[pl.ds(0, rows_per_buf)], rows_v.at[b],
                osem[b]).wait()

        def step_body(s, b, fire, wait_prev_out=True):
            wait_gathers(b)
            fire_out(s, b)
            if wait_prev_out:
                wait_out((b - 1) % NBUF)
            if fire:
                fire_gathers(s + NBUF - 1, (b - 1) % NBUF)

        for t in range(NBUF - 1):
            fire_gathers(t, t)

        step_body(0, 0, True, wait_prev_out=False)

        last_fire = n_steps - NBUF
        K = (last_fire - 1 + 1) // NBUF if last_fire >= 1 else 0
        if K > 0:
            @pl.loop(0, K)
            def _(p):
                for boff in range(NBUF):
                    s = 1 + p * NBUF + boff
                    step_body(s, (1 + boff) % NBUF, True)

        for s in range(1 + K * NBUF, last_fire + 1):
            step_body(s, s % NBUF, True)

        for s in range(max(last_fire + 1, 1), n_steps):
            step_body(s, s % NBUF, False)

        wait_out((n_steps - 1) % NBUF)

    return emb


def kernel(input_, weight):
    V, D = weight.shape
    orig_shape = input_.shape
    idx = input_.reshape(-1).astype(jnp.int32)
    B = idx.shape[0]
    chunk = NW * G * GPB
    pad = (-B) % chunk
    if pad:
        idx = jnp.concatenate([idx, jnp.zeros((pad,), jnp.int32)])
    Bp = B + pad
    out = _build(Bp, V, D)(idx, weight)
    if pad:
        out = out[:B]
    return out.reshape(orig_shape + (D,))

# --- scband reference (transcript-rebuilt; emitter-appended) ---
"""Pipeline reference for scband-pipe-parallel-embedding-33174327394801 (READ-ONLY COPY).

The authoritative reference and input builder live on the scoring server;
editing this copy changes nothing except your own understanding.
"""

import jax, jax.numpy as jnp
import numpy as np

NUM_EMBEDDINGS = 1000000
EMBEDDING_DIM = 64

def setup_inputs(seed: int = 0) -> dict:
    key = jax.random.key(seed)
    k_idx, k_w = jax.random.split(key)
    input_ = jax.random.randint(k_idx, (16384, 50), 0, NUM_EMBEDDINGS, dtype=jnp.int64 if jax.config.jax_enable_x64 else jnp.int32)
    # xavier_normal_ init for embedding table: std = sqrt(2/(fan_in+fan_out))
    std = float(np.sqrt(2.0 / (NUM_EMBEDDINGS + EMBEDDING_DIM)))
    weight = jax.random.normal(k_w, (NUM_EMBEDDINGS, EMBEDDING_DIM), dtype=jnp.float32) * std
    return {"input_": input_, "weight": weight}

def reference(input_, weight):
    # F.embedding(input_, weight) with padding_idx=None, max_norm=None -> plain gather
    output = jnp.take(weight, input_, axis=0)
    return output

if __name__ == "__main__":
    import jax
    _d = setup_inputs()
    print(jax.jit(kernel)(*tuple(_d.values())))

</pallas_src>

<mosaic_0001>
#map = affine_map<(d0, d1) -> (0)>
#map1 = affine_map<(d0, d1) -> (0, 0)>
module attributes {stable_mosaic.version = 14 : i64} {
  func.func @emb(%arg0: i32, %arg1: i32, %arg2: memref<819200xi32, #tpu.memory_space<hbm>>, %arg3: memref<1000000x64xf32, #tpu.memory_space<hbm>>, %arg4: memref<819200x64xf32, #tpu.memory_space<hbm>>, %arg5: memref<25600xi32, #tpu.memory_space<vmem>>, %arg6: memref<3x512x64xf32, #tpu.memory_space<vmem>>, %arg7: memref<!tpu.dma_semaphore, #tpu.memory_space<semaphore_mem>>, %arg8: memref<!tpu.dma_semaphore, #tpu.memory_space<semaphore_mem>>, %arg9: memref<!tpu.dma_semaphore, #tpu.memory_space<semaphore_mem>>, %arg10: memref<!tpu.dma_semaphore, #tpu.memory_space<semaphore_mem>>, %arg11: memref<!tpu.dma_semaphore, #tpu.memory_space<semaphore_mem>>, %arg12: memref<!tpu.dma_semaphore, #tpu.memory_space<semaphore_mem>>) attributes {dimension_semantics = [#tpu.dimension_semantics<core_parallel>, #tpu.dimension_semantics<subcore_parallel>], iteration_bounds = array<i64: 2, 16>, scalar_prefetch = 0 : i64, scratch_operands = 8 : i64, tpu.core_type = #tpu.core_type<sc_vector_subcore>, window_params = [{transform_indices = #map}, {transform_indices = #map1}, {transform_indices = #map1}]} {
    %mul3A = arith.constant 2 : i32
    %mul3A_0 = arith.muli %arg1, %mul3A : i32
    %add3A = arith.addi %mul3A_0, %arg0 : i32
    %mul3A_1 = arith.constant 25600 : i32
    %mul3A_2 = arith.muli %add3A, %mul3A_1 : i32
    "tpu.region"() ({
      %run_scoped3A = tpu.sem_alloc : memref<!tpu.dma_semaphore, #tpu.memory_space<semaphore_mem>>
      %dma_start3A_430 = tpu.memref_slice %arg2[%mul3A_2] : memref<819200xi32, #tpu.memory_space<hbm>> -> memref<25600xi32, #tpu.memory_space<hbm>>
      %dma_start3A_431 = tpu.memref_slice %arg2[%mul3A_2] : memref<819200xi32, #tpu.memory_space<hbm>> -> memref<25600xi32, #tpu.memory_space<hbm>>
      tpu.enqueue_dma source(%dma_start3A_431 : memref<25600xi32, #tpu.memory_space<hbm>>) target(%arg5 : memref<25600xi32, #tpu.memory_space<vmem>>) target_semaphore(%run_scoped3A : memref<!tpu.dma_semaphore, #tpu.memory_space<semaphore_mem>>)
      %dma_wait3A_432 = tpu.memref_slice %arg2[%mul3A_2] : memref<819200xi32, #tpu.memory_space<hbm>> -> memref<25600xi32, #tpu.memory_space<hbm>>
      %dma_wait3A_433 = tpu.memref_slice %arg2[%mul3A_2] : memref<819200xi32, #tpu.memory_space<hbm>> -> memref<25600xi32, #tpu.memory_space<hbm>>
      tpu.wait_dma2 semaphore(%run_scoped3A : memref<!tpu.dma_semaphore, #tpu.memory_space<semaphore_mem>>) src(%dma_wait3A_433 : memref<25600xi32, #tpu.memory_space<hbm>>) dst(%arg5 : memref<25600xi32, #tpu.memory_space<vmem>>)
      tpu.yield
    }) : () -> ()
    %dma_start3A = arith.constant 0 : i32
    %dma_start3A_3 = arith.constant 0 : i32
    %dma_start3A_4 = arith.constant 0 : i32
    %dma_start3A_5 = tpu.memref_slice %arg6[%dma_start3A, %dma_start3A_3, %dma_start3A_4] : memref<3x512x64xf32, #tpu.memory_space<vmem>> -> memref<1x128x64xf32, #tpu.memory_space<vmem>>
    %dma_start3A_6 = tpu.memref_squeeze %dma_start3A_5 : memref<1x128x64xf32, #tpu.memory_space<vmem>> -> memref<128x64xf32, #tpu.memory_space<vmem>>
    %dma_start3A_7 = arith.constant 0 : i32
    %dma_start3A_8 = tpu.memref_slice %arg5[%dma_start3A_7] : memref<25600xi32, #tpu.memory_space<vmem>> -> memref<128xi32, #tpu.memory_space<vmem>>
    %dma_start3A_9 = arith.constant 0 : i32
    %dma_start3A_10 = arith.constant 0 : i32
    %dma_start3A_11 = tpu.memref_slice %arg3[%dma_start3A_9, %dma_start3A_10] : memref<1000000x64xf32, #tpu.memory_space<hbm>> -> memref<1000000x64xf32, #tpu.memory_space<hbm>>
    tpu.enqueue_indirect_dma source(%dma_start3A_11 : memref<1000000x64xf32, #tpu.memory_space<hbm>>) target(%dma_start3A_6 : memref<128x64xf32, #tpu.memory_space<vmem>>) offsets(%dma_start3A_8 : memref<128xi32, #tpu.memory_space<vmem>>) semaphore(%arg7 : memref<!tpu.dma_semaphore, #tpu.memory_space<semaphore_mem>>)
    %dma_start3A_12 = arith.constant 0 : i32
    %dma_start3A_13 = arith.constant 128 : i32
    %dma_start3A_14 = arith.constant 0 : i32
    %dma_start3A_15 = tpu.memref_slice %arg6[%dma_start3A_12, %dma_start3A_13, %dma_start3A_14] : memref<3x512x64xf32, #tpu.memory_space<vmem>> -> memref<1x128x64xf32, #tpu.memory_space<vmem>>
    %dma_start3A_16 = tpu.memref_squeeze %dma_start3A_15 : memref<1x128x64xf32, #tpu.memory_space<vmem>> -> memref<128x64xf32, #tpu.memory_space<vmem>>
    %dma_start3A_17 = arith.constant 128 : i32
    %dma_start3A_18 = tpu.memref_slice %arg5[%dma_start3A_17] : memref<25600xi32, #tpu.memory_space<vmem>> -> memref<128xi32, #tpu.memory_space<vmem>>
    %dma_start3A_19 = arith.constant 0 : i32
    %dma_start3A_20 = arith.constant 0 : i32
    %dma_start3A_21 = tpu.memref_slice %arg3[%dma_start3A_19, %dma_start3A_20] : memref<1000000x64xf32, #tpu.memory_space<hbm>> -> memref<1000000x64xf32, #tpu.memory_space<hbm>>
    tpu.enqueue_indirect_dma source(%dma_start3A_21 : memref<1000000x64xf32, #tpu.memory_space<hbm>>) target(%dma_start3A_16 : memref<128x64xf32, #tpu.memory_space<vmem>>) offsets(%dma_start3A_18 : memref<128xi32, #tpu.memory_space<vmem>>) semaphore(%arg7 : memref<!tpu.dma_semaphore, #tpu.memory_space<semaphore_mem>>)
    %dma_start3A_22 = arith.constant 0 : i32
    %dma_start3A_23 = arith.constant 256 : i32
    %dma_start3A_24 = arith.constant 0 : i32
    %dma_start3A_25 = tpu.memref_slice %arg6[%dma_start3A_22, %dma_start3A_23, %dma_start3A_24] : memref<3x512x64xf32, #tpu.memory_space<vmem>> -> memref<1x128x64xf32, #tpu.memory_space<vmem>>
    %dma_start3A_26 = tpu.memref_squeeze %dma_start3A_25 : memref<1x128x64xf32, #tpu.memory_space<vmem>> -> memref<128x64xf32, #tpu.memory_space<vmem>>
    %dma_start3A_27 = arith.constant 256 : i32
    %dma_start3A_28 = tpu.memref_slice %arg5[%dma_start3A_27] : memref<25600xi32, #tpu.memory_space<vmem>> -> memref<128xi32, #tpu.memory_space<vmem>>
    %dma_start3A_29 = arith.constant 0 : i32
    %dma_start3A_30 = arith.constant 0 : i32
    %dma_start3A_31 = tpu.memref_slice %arg3[%dma_start3A_29, %dma_start3A_30] : memref<1000000x64xf32, #tpu.memory_space<hbm>> -> memref<1000000x64xf32, #tpu.memory_space<hbm>>
    tpu.enqueue_indirect_dma source(%dma_start3A_31 : memref<1000000x64xf32, #tpu.memory_space<hbm>>) target(%dma_start3A_26 : memref<128x64xf32, #tpu.memory_space<vmem>>) offsets(%dma_start3A_28 : memref<128xi32, #tpu.memory_space<vmem>>) semaphore(%arg7 : memref<!tpu.dma_semaphore, #tpu.memory_space<semaphore_mem>>)
    %dma_start3A_32 = arith.constant 0 : i32
    %dma_start3A_33 = arith.constant 384 : i32
    %dma_start3A_34 = arith.constant 0 : i32
    %dma_start3A_35 = tpu.memref_slice %arg6[%dma_start3A_32, %dma_start3A_33, %dma_start3A_34] : memref<3x512x64xf32, #tpu.memory_space<vmem>> -> memref<1x128x64xf32, #tpu.memory_space<vmem>>
    %dma_start3A_36 = tpu.memref_squeeze %dma_start3A_35 : memref<1x128x64xf32, #tpu.memory_space<vmem>> -> memref<128x64xf32, #tpu.memory_space<vmem>>
    %dma_start3A_37 = arith.constant 384 : i32
    %dma_start3A_38 = tpu.memref_slice %arg5[%dma_start3A_37] : memref<25600xi32, #tpu.memory_space<vmem>> -> memref<128xi32, #tpu.memory_space<vmem>>
    %dma_start3A_39 = arith.constant 0 : i32
    %dma_start3A_40 = arith.constant 0 : i32
    %dma_start3A_41 = tpu.memref_slice %arg3[%dma_start3A_39, %dma_start3A_40] : memref<1000000x64xf32, #tpu.memory_space<hbm>> -> memref<1000000x64xf32, #tpu.memory_space<hbm>>
    tpu.enqueue_indirect_dma source(%dma_start3A_41 : memref<1000000x64xf32, #tpu.memory_space<hbm>>) target(%dma_start3A_36 : memref<128x64xf32, #tpu.memory_space<vmem>>) offsets(%dma_start3A_38 : memref<128xi32, #tpu.memory_space<vmem>>) semaphore(%arg7 : memref<!tpu.dma_semaphore, #tpu.memory_space<semaphore_mem>>)
    %dma_start3A_42 = arith.constant 1 : i32
    %dma_start3A_43 = arith.constant 0 : i32
    %dma_start3A_44 = arith.constant 0 : i32
    %dma_start3A_45 = tpu.memref_slice %arg6[%dma_start3A_42, %dma_start3A_43, %dma_start3A_44] : memref<3x512x64xf32, #tpu.memory_space<vmem>> -> memref<1x128x64xf32, #tpu.memory_space<vmem>>
    %dma_start3A_46 = tpu.memref_squeeze %dma_start3A_45 : memref<1x128x64xf32, #tpu.memory_space<vmem>> -> memref<128x64xf32, #tpu.memory_space<vmem>>
    %dma_start3A_47 = arith.constant 512 : i32
    %dma_start3A_48 = tpu.memref_slice %arg5[%dma_start3A_47] : memref<25600xi32, #tpu.memory_space<vmem>> -> memref<128xi32, #tpu.memory_space<vmem>>
    %dma_start3A_49 = arith.constant 0 : i32
    %dma_start3A_50 = arith.constant 0 : i32
    %dma_start3A_51 = tpu.memref_slice %arg3[%dma_start3A_49, %dma_start3A_50] : memref<1000000x64xf32, #tpu.memory_space<hbm>> -> memref<1000000x64xf32, #tpu.memory_space<hbm>>
    tpu.enqueue_indirect_dma source(%dma_start3A_51 : memref<1000000x64xf32, #tpu.memory_space<hbm>>) target(%dma_start3A_46 : memref<128x64xf32, #tpu.memory_space<vmem>>) offsets(%dma_start3A_48 : memref<128xi32, #tpu.memory_space<vmem>>) semaphore(%arg8 : memref<!tpu.dma_semaphore, #tpu.memory_space<semaphore_mem>>)
    %dma_start3A_52 = arith.constant 1 : i32
    %dma_start3A_53 = arith.constant 128 : i32
    %dma_start3A_54 = arith.constant 0 : i32
    %dma_start3A_55 = tpu.memref_slice %arg6[%dma_start3A_52, %dma_start3A_53, %dma_start3A_54] : memref<3x512x64xf32, #tpu.memory_space<vmem>> -> memref<1x128x64xf32, #tpu.memory_space<vmem>>
    %dma_start3A_56 = tpu.memref_squeeze %dma_start3A_55 : memref<1x128x64xf32, #tpu.memory_space<vmem>> -> memref<128x64xf32, #tpu.memory_space<vmem>>
    %dma_start3A_57 = arith.constant 640 : i32
    %dma_start3A_58 = tpu.memref_slice %arg5[%dma_start3A_57] : memref<25600xi32, #tpu.memory_space<vmem>> -> memref<128xi32, #tpu.memory_space<vmem>>
    %dma_start3A_59 = arith.constant 0 : i32
    %dma_start3A_60 = arith.constant 0 : i32
    %dma_start3A_61 = tpu.memref_slice %arg3[%dma_start3A_59, %dma_start3A_60] : memref<1000000x64xf32, #tpu.memory_space<hbm>> -> memref<1000000x64xf32, #tpu.memory_space<hbm>>
    tpu.enqueue_indirect_dma source(%dma_start3A_61 : memref<1000000x64xf32, #tpu.memory_space<hbm>>) target(%dma_start3A_56 : memref<128x64xf32, #tpu.memory_space<vmem>>) offsets(%dma_start3A_58 : memref<128xi32, #tpu.memory_space<vmem>>) semaphore(%arg8 : memref<!tpu.dma_semaphore, #tpu.memory_space<semaphore_mem>>)
    %dma_start3A_62 = arith.constant 1 : i32
    %dma_start3A_63 = arith.constant 256 : i32
    %dma_start3A_64 = arith.constant 0 : i32
    %dma_start3A_65 = tpu.memref_slice %arg6[%dma_start3A_62, %dma_start3A_63, %dma_start3A_64] : memref<3x512x64xf32, #tpu.memory_space<vmem>> -> memref<1x128x64xf32, #tpu.memory_space<vmem>>
    %dma_start3A_66 = tpu.memref_squeeze %dma_start3A_65 : memref<1x128x64xf32, #tpu.memory_space<vmem>> -> memref<128x64xf32, #tpu.memory_space<vmem>>
    %dma_start3A_67 = arith.constant 768 : i32
    %dma_start3A_68 = tpu.memref_slice %arg5[%dma_start3A_67] : memref<25600xi32, #tpu.memory_space<vmem>> -> memref<128xi32, #tpu.memory_space<vmem>>
    %dma_start3A_69 = arith.constant 0 : i32
    %dma_start3A_70 = arith.constant 0 : i32
    %dma_start3A_71 = tpu.memref_slice %arg3[%dma_start3A_69, %dma_start3A_70] : memref<1000000x64xf32, #tpu.memory_space<hbm>> -> memref<1000000x64xf32, #tpu.memory_space<hbm>>
    tpu.enqueue_indirect_dma source(%dma_start3A_71 : memref<1000000x64xf32, #tpu.memory_space<hbm>>) target(%dma_start3A_66 : memref<128x64xf32, #tpu.memory_space<vmem>>) offsets(%dma_start3A_68 : memref<128xi32, #tpu.memory_space<vmem>>) semaphore(%arg8 : memref<!tpu.dma_semaphore, #tpu.memory_space<semaphore_mem>>)
    %dma_start3A_72 = arith.constant 1 : i32
    %dma_start3A_73 = arith.constant 384 : i32
    %dma_start3A_74 = arith.constant 0 : i32
    %dma_start3A_75 = tpu.memref_slice %arg6[%dma_start3A_72, %dma_start3A_73, %dma_start3A_74] : memref<3x512x64xf32, #tpu.memory_space<vmem>> -> memref<1x128x64xf32, #tpu.memory_space<vmem>>
    %dma_start3A_76 = tpu.memref_squeeze %dma_start3A_75 : memref<1x128x64xf32, #tpu.memory_space<vmem>> -> memref<128x64xf32, #tpu.memory_space<vmem>>
    %dma_start3A_77 = arith.constant 896 : i32
    %dma_start3A_78 = tpu.memref_slice %arg5[%dma_start3A_77] : memref<25600xi32, #tpu.memory_space<vmem>> -> memref<128xi32, #tpu.memory_space<vmem>>
    %dma_start3A_79 = arith.constant 0 : i32
    %dma_start3A_80 = arith.constant 0 : i32
    %dma_start3A_81 = tpu.memref_slice %arg3[%dma_start3A_79, %dma_start3A_80] : memref<1000000x64xf32, #tpu.memory_space<hbm>> -> memref<1000000x64xf32, #tpu.memory_space<hbm>>
    tpu.enqueue_indirect_dma source(%dma_start3A_81 : memref<1000000x64xf32, #tpu.memory_space<hbm>>) target(%dma_start3A_76 : memref<128x64xf32, #tpu.memory_space<vmem>>) offsets(%dma_start3A_78 : memref<128xi32, #tpu.memory_space<vmem>>) semaphore(%arg8 : memref<!tpu.dma_semaphore, #tpu.memory_space<semaphore_mem>>)
    %dma_wait3A = arith.constant 0 : i32
    %dma_wait3A_82 = arith.constant 0 : i32
    %dma_wait3A_83 = arith.constant 0 : i32
    %dma_wait3A_84 = tpu.memref_slice %arg6[%dma_wait3A, %dma_wait3A_82, %dma_wait3A_83] : memref<3x512x64xf32, #tpu.memory_space<vmem>> -> memref<1x512x64xf32, #tpu.memory_space<vmem>>
    %dma_wait3A_85 = tpu.memref_squeeze %dma_wait3A_84 : memref<1x512x64xf32, #tpu.memory_space<vmem>> -> memref<512x64xf32, #tpu.memory_space<vmem>>
    %dma_wait3A_86 = arith.constant 0 : i32
    %dma_wait3A_87 = arith.constant 0 : i32
    %dma_wait3A_88 = tpu.memref_slice %arg4[%dma_wait3A_86, %dma_wait3A_87] : memref<819200x64xf32, #tpu.memory_space<hbm>> -> memref<512x64xf32, #tpu.memory_space<hbm>>
    %dma_wait3A_89 = arith.constant 0 : i32
    %dma_wait3A_90 = arith.constant 0 : i32
    %dma_wait3A_91 = tpu.memref_slice %arg6[%dma_wait3A, %dma_wait3A_89, %dma_wait3A_90] : memref<3x512x64xf32, #tpu.memory_space<vmem>> -> memref<1x512x64xf32, #tpu.memory_space<vmem>>
    %dma_wait3A_92 = tpu.memref_squeeze %dma_wait3A_91 : memref<1x512x64xf32, #tpu.memory_space<vmem>> -> memref<512x64xf32, #tpu.memory_space<vmem>>
    %dma_wait3A_93 = arith.constant 0 : i32
    %dma_wait3A_94 = arith.constant 0 : i32
    %dma_wait3A_95 = tpu.memref_slice %arg4[%dma_wait3A_93, %dma_wait3A_94] : memref<819200x64xf32, #tpu.memory_space<hbm>> -> memref<512x64xf32, #tpu.memory_space<hbm>>
    tpu.wait_dma2 semaphore(%arg7 : memref<!tpu.dma_semaphore, #tpu.memory_space<semaphore_mem>>) src(%dma_wait3A_95 : memref<512x64xf32, #tpu.memory_space<hbm>>) dst(%dma_wait3A_92 : memref<512x64xf32, #tpu.memory_space<vmem>>)
    %add3A_96 = arith.constant 0 : i32
    %add3A_97 = arith.addi %mul3A_2, %add3A_96 : i32
    %dma_start3A_98 = arith.constant 0 : i32
    %dma_start3A_99 = arith.constant 0 : i32
    %dma_start3A_100 = arith.constant 0 : i32
    %dma_start3A_101 = tpu.memref_slice %arg6[%dma_start3A_98, %dma_start3A_99, %dma_start3A_100] : memref<3x512x64xf32, #tpu.memory_space<vmem>> -> memref<1x512x64xf32, #tpu.memory_space<vmem>>
    %dma_start3A_102 = tpu.memref_squeeze %dma_start3A_101 : memref<1x512x64xf32, #tpu.memory_space<vmem>> -> memref<512x64xf32, #tpu.memory_space<vmem>>
    %dma_start3A_103 = arith.constant 0 : i32
    %dma_start3A_104 = tpu.memref_slice %arg4[%add3A_97, %dma_start3A_103] : memref<819200x64xf32, #tpu.memory_space<hbm>> -> memref<512x64xf32, #tpu.memory_space<hbm>>
    %dma_start3A_105 = arith.constant 0 : i32
    %dma_start3A_106 = tpu.memref_slice %arg4[%add3A_97, %dma_start3A_105] : memref<819200x64xf32, #tpu.memory_space<hbm>> -> memref<512x64xf32, #tpu.memory_space<hbm>>
    %dma_start3A_107 = arith.constant 0 : i32
    %dma_start3A_108 = arith.constant 0 : i32
    %dma_start3A_109 = tpu.memref_slice %arg6[%dma_start3A_98, %dma_start3A_107, %dma_start3A_108] : memref<3x512x64xf32, #tpu.memory_space<vmem>> -> memref<1x512x64xf32, #tpu.memory_space<vmem>>
    %dma_start3A_110 = tpu.memref_squeeze %dma_start3A_109 : memref<1x512x64xf32, #tpu.memory_space<vmem>> -> memref<512x64xf32, #tpu.memory_space<vmem>>
    tpu.enqueue_dma source(%dma_start3A_110 : memref<512x64xf32, #tpu.memory_space<vmem>>) target(%dma_start3A_106 : memref<512x64xf32, #tpu.memory_space<hbm>>) target_semaphore(%arg10 : memref<!tpu.dma_semaphore, #tpu.memory_space<semaphore_mem>>)
    %dma_start3A_111 = arith.constant 2 : i32
    %dma_start3A_112 = arith.constant 0 : i32
    %dma_start3A_113 = arith.constant 0 : i32
    %dma_start3A_114 = tpu.memref_slice %arg6[%dma_start3A_111, %dma_start3A_112, %dma_start3A_113] : memref<3x512x64xf32, #tpu.memory_space<vmem>> -> memref<1x128x64xf32, #tpu.memory_space<vmem>>
    %dma_start3A_115 = tpu.memref_squeeze %dma_start3A_114 : memref<1x128x64xf32, #tpu.memory_space<vmem>> -> memref<128x64xf32, #tpu.memory_space<vmem>>
    %dma_start3A_116 = arith.constant 1024 : i32
    %dma_start3A_117 = tpu.memref_slice %arg5[%dma_start3A_116] : memref<25600xi32, #tpu.memory_space<vmem>> -> memref<128xi32, #tpu.memory_space<vmem>>
    %dma_start3A_118 = arith.constant 0 : i32
    %dma_start3A_119 = arith.constant 0 : i32
    %dma_start3A_120 = tpu.memref_slice %arg3[%dma_start3A_118, %dma_start3A_119] : memref<1000000x64xf32, #tpu.memory_space<hbm>> -> memref<1000000x64xf32, #tpu.memory_space<hbm>>
    tpu.enqueue_indirect_dma source(%dma_start3A_120 : memref<1000000x64xf32, #tpu.memory_space<hbm>>) target(%dma_start3A_115 : memref<128x64xf32, #tpu.memory_space<vmem>>) offsets(%dma_start3A_117 : memref<128xi32, #tpu.memory_space<vmem>>) semaphore(%arg9 : memref<!tpu.dma_semaphore, #tpu.memory_space<semaphore_mem>>)
    %dma_start3A_121 = arith.constant 2 : i32
    %dma_start3A_122 = arith.constant 128 : i32
    %dma_start3A_123 = arith.constant 0 : i32
    %dma_start3A_124 = tpu.memref_slice %arg6[%dma_start3A_121, %dma_start3A_122, %dma_start3A_123] : memref<3x512x64xf32, #tpu.memory_space<vmem>> -> memref<1x128x64xf32, #tpu.memory_space<vmem>>
    %dma_start3A_125 = tpu.memref_squeeze %dma_start3A_124 : memref<1x128x64xf32, #tpu.memory_space<vmem>> -> memref<128x64xf32, #tpu.memory_space<vmem>>
    %dma_start3A_126 = arith.constant 1152 : i32
    %dma_start3A_127 = tpu.memref_slice %arg5[%dma_start3A_126] : memref<25600xi32, #tpu.memory_space<vmem>> -> memref<128xi32, #tpu.memory_space<vmem>>
    %dma_start3A_128 = arith.constant 0 : i32
    %dma_start3A_129 = arith.constant 0 : i32
    %dma_start3A_130 = tpu.memref_slice %arg3[%dma_start3A_128, %dma_start3A_129] : memref<1000000x64xf32, #tpu.memory_space<hbm>> -> memref<1000000x64xf32, #tpu.memory_space<hbm>>
    tpu.enqueue_indirect_dma source(%dma_start3A_130 : memref<1000000x64xf32, #tpu.memory_space<hbm>>) target(%dma_start3A_125 : memref<128x64xf32, #tpu.memory_space<vmem>>) offsets(%dma_start3A_127 : memref<128xi32, #tpu.memory_space<vmem>>) semaphore(%arg9 : memref<!tpu.dma_semaphore, #tpu.memory_space<semaphore_mem>>)
    %dma_start3A_131 = arith.constant 2 : i32
    %dma_start3A_132 = arith.constant 256 : i32
    %dma_start3A_133 = arith.constant 0 : i32
    %dma_start3A_134 = tpu.memref_slice %arg6[%dma_start3A_131, %dma_start3A_132, %dma_start3A_133] : memref<3x512x64xf32, #tpu.memory_space<vmem>> -> memref<1x128x64xf32, #tpu.memory_space<vmem>>
    %dma_start3A_135 = tpu.memref_squeeze %dma_start3A_134 : memref<1x128x64xf32, #tpu.memory_space<vmem>> -> memref<128x64xf32, #tpu.memory_space<vmem>>
    %dma_start3A_136 = arith.constant 1280 : i32
    %dma_start3A_137 = tpu.memref_slice %arg5[%dma_start3A_136] : memref<25600xi32, #tpu.memory_space<vmem>> -> memref<128xi32, #tpu.memory_space<vmem>>
    %dma_start3A_138 = arith.constant 0 : i32
    %dma_start3A_139 = arith.constant 0 : i32
    %dma_start3A_140 = tpu.memref_slice %arg3[%dma_start3A_138, %dma_start3A_139] : memref<1000000x64xf32, #tpu.memory_space<hbm>> -> memref<1000000x64xf32, #tpu.memory_space<hbm>>
    tpu.enqueue_indirect_dma source(%dma_start3A_140 : memref<1000000x64xf32, #tpu.memory_space<hbm>>) target(%dma_start3A_135 : memref<128x64xf32, #tpu.memory_space<vmem>>) offsets(%dma_start3A_137 : memref<128xi32, #tpu.memory_space<vmem>>) semaphore(%arg9 : memref<!tpu.dma_semaphore, #tpu.memory_space<semaphore_mem>>)
    %dma_start3A_141 = arith.constant 2 : i32
    %dma_start3A_142 = arith.constant 384 : i32
    %dma_start3A_143 = arith.constant 0 : i32
    %dma_start3A_144 = tpu.memref_slice %arg6[%dma_start3A_141, %dma_start3A_142, %dma_start3A_143] : memref<3x512x64xf32, #tpu.memory_space<vmem>> -> memref<1x128x64xf32, #tpu.memory_space<vmem>>
    %dma_start3A_145 = tpu.memref_squeeze %dma_start3A_144 : memref<1x128x64xf32, #tpu.memory_space<vmem>> -> memref<128x64xf32, #tpu.memory_space<vmem>>
    %dma_start3A_146 = arith.constant 1408 : i32
    %dma_start3A_147 = tpu.memref_slice %arg5[%dma_start3A_146] : memref<25600xi32, #tpu.memory_space<vmem>> -> memref<128xi32, #tpu.memory_space<vmem>>
    %dma_start3A_148 = arith.constant 0 : i32
    %dma_start3A_149 = arith.constant 0 : i32
    %dma_start3A_150 = tpu.memref_slice %arg3[%dma_start3A_148, %dma_start3A_149] : memref<1000000x64xf32, #tpu.memory_space<hbm>> -> memref<1000000x64xf32, #tpu.memory_space<hbm>>
    tpu.enqueue_indirect_dma source(%dma_start3A_150 : memref<1000000x64xf32, #tpu.memory_space<hbm>>) target(%dma_start3A_145 : memref<128x64xf32, #tpu.memory_space<vmem>>) offsets(%dma_start3A_147 : memref<128xi32, #tpu.memory_space<vmem>>) semaphore(%arg9 : memref<!tpu.dma_semaphore, #tpu.memory_space<semaphore_mem>>)
    %scan3A = arith.constant 0 : i32
    %scan3A_151 = arith.constant 15 : i32
    %scan3A_152 = arith.addi %scan3A, %scan3A_151 : i32
    %scan3A_153 = arith.constant 1 : i32
    scf.for %scan3A_430 = %scan3A to %scan3A_152 step %scan3A_153  : i32 {
      %mul3A_431 = arith.constant 1 : i32
      %mul3A_432 = arith.muli %scan3A_430, %mul3A_431 : i32
      %add3A_433 = arith.constant 0 : i32
      %add3A_434 = arith.addi %add3A_433, %mul3A_432 : i32
      %mul3A_435 = arith.constant 3 : i32
      %mul3A_436 = arith.muli %add3A_434, %mul3A_435 : i32
      %add3A_437 = arith.constant 1 : i32
      %add3A_438 = arith.addi %add3A_437, %mul3A_436 : i32
      %add3A_439 = arith.constant 0 : i32
      %add3A_440 = arith.addi %add3A_438, %add3A_439 : i32
      %dma_wait3A_441 = arith.constant 1 : i32
      %dma_wait3A_442 = arith.constant 0 : i32
      %dma_wait3A_443 = arith.constant 0 : i32
      %dma_wait3A_444 = tpu.memref_slice %arg6[%dma_wait3A_441, %dma_wait3A_442, %dma_wait3A_443] : memref<3x512x64xf32, #tpu.memory_space<vmem>> -> memref<1x512x64xf32, #tpu.memory_space<vmem>>
      %dma_wait3A_445 = tpu.memref_squeeze %dma_wait3A_444 : memref<1x512x64xf32, #tpu.memory_space<vmem>> -> memref<512x64xf32, #tpu.memory_space<vmem>>
      %dma_wait3A_446 = arith.constant 0 : i32
      %dma_wait3A_447 = arith.constant 0 : i32
      %dma_wait3A_448 = tpu.memref_slice %arg4[%dma_wait3A_446, %dma_wait3A_447] : memref<819200x64xf32, #tpu.memory_space<hbm>> -> memref<512x64xf32, #tpu.memory_space<hbm>>
      %dma_wait3A_449 = arith.constant 0 : i32
      %dma_wait3A_450 = arith.constant 0 : i32
      %dma_wait3A_451 = tpu.memref_slice %arg6[%dma_wait3A_441, %dma_wait3A_449, %dma_wait3A_450] : memref<3x512x64xf32, #tpu.memory_space<vmem>> -> memref<1x512x64xf32, #tpu.memory_space<vmem>>
      %dma_wait3A_452 = tpu.memref_squeeze %dma_wait3A_451 : memref<1x512x64xf32, #tpu.memory_space<vmem>> -> memref<512x64xf32, #tpu.memory_space<vmem>>
      %dma_wait3A_453 = arith.constant 0 : i32
      %dma_wait3A_454 = arith.constant 0 : i32
      %dma_wait3A_455 = tpu.memref_slice %arg4[%dma_wait3A_453, %dma_wait3A_454] : memref<819200x64xf32, #tpu.memory_space<hbm>> -> memref<512x64xf32, #tpu.memory_space<hbm>>
      tpu.wait_dma2 semaphore(%arg8 : memref<!tpu.dma_semaphore, #tpu.memory_space<semaphore_mem>>) src(%dma_wait3A_455 : memref<512x64xf32, #tpu.memory_space<hbm>>) dst(%dma_wait3A_452 : memref<512x64xf32, #tpu.memory_space<vmem>>)
      %mul3A_456 = arith.constant 512 : i32
      %mul3A_457 = arith.muli %add3A_440, %mul3A_456 : i32
      %add3A_458 = arith.addi %mul3A_2, %mul3A_457 : i32
      %dma_start3A_459 = arith.constant 1 : i32
      %dma_start3A_460 = arith.constant 0 : i32
      %dma_start3A_461 = arith.constant 0 : i32
      %dma_start3A_462 = tpu.memref_slice %arg6[%dma_start3A_459, %dma_start3A_460, %dma_start3A_461] : memref<3x512x64xf32, #tpu.memory_space<vmem>> -> memref<1x512x64xf32, #tpu.memory_space<vmem>>
      %dma_start3A_463 = tpu.memref_squeeze %dma_start3A_462 : memref<1x512x64xf32, #tpu.memory_space<vmem>> -> memref<512x64xf32, #tpu.memory_space<vmem>>
      %dma_start3A_464 = arith.constant 0 : i32
      %dma_start3A_465 = tpu.memref_slice %arg4[%add3A_458, %dma_start3A_464] : memref<819200x64xf32, #tpu.memory_space<hbm>> -> memref<512x64xf32, #tpu.memory_space<hbm>>
      %dma_start3A_466 = arith.constant 0 : i32
      %dma_start3A_467 = tpu.memref_slice %arg4[%add3A_458, %dma_start3A_466] : memref<819200x64xf32, #tpu.memory_space<hbm>> -> memref<512x64xf32, #tpu.memory_space<hbm>>
      %dma_start3A_468 = arith.constant 0 : i32
      %dma_start3A_469 = arith.constant 0 : i32
      %dma_start3A_470 = tpu.memref_slice %arg6[%dma_start3A_459, %dma_start3A_468, %dma_start3A_469] : memref<3x512x64xf32, #tpu.memory_space<vmem>> -> memref<1x512x64xf32, #tpu.memory_space<vmem>>
      %dma_start3A_471 = tpu.memref_squeeze %dma_start3A_470 : memref<1x512x64xf32, #tpu.memory_space<vmem>> -> memref<512x64xf32, #tpu.memory_space<vmem>>
      tpu.enqueue_dma source(%dma_start3A_471 : memref<512x64xf32, #tpu.memory_space<vmem>>) target(%dma_start3A_467 : memref<512x64xf32, #tpu.memory_space<hbm>>) target_semaphore(%arg11 : memref<!tpu.dma_semaphore, #tpu.memory_space<semaphore_mem>>)
      %dma_wait3A_472 = arith.constant 0 : i32
      %dma_wait3A_473 = arith.constant 0 : i32
      %dma_wait3A_474 = arith.constant 0 : i32
      %dma_wait3A_475 = tpu.memref_slice %arg6[%dma_wait3A_472, %dma_wait3A_473, %dma_wait3A_474] : memref<3x512x64xf32, #tpu.memory_space<vmem>> -> memref<1x512x64xf32, #tpu.memory_space<vmem>>
      %dma_wait3A_476 = tpu.memref_squeeze %dma_wait3A_475 : memref<1x512x64xf32, #tpu.memory_space<vmem>> -> memref<512x64xf32, #tpu.memory_space<vmem>>
      %dma_wait3A_477 = arith.constant 0 : i32
      %dma_wait3A_478 = arith.constant 0 : i32
      %dma_wait3A_479 = tpu.memref_slice %arg4[%dma_wait3A_477, %dma_wait3A_478] : memref<819200x64xf32, #tpu.memory_space<hbm>> -> memref<512x64xf32, #tpu.memory_space<hbm>>
      %dma_wait3A_480 = arith.constant 0 : i32
      %dma_wait3A_481 = arith.constant 0 : i32
      %dma_wait3A_482 = tpu.memref_slice %arg6[%dma_wait3A_472, %dma_wait3A_480, %dma_wait3A_481] : memref<3x512x64xf32, #tpu.memory_space<vmem>> -> memref<1x512x64xf32, #tpu.memory_space<vmem>>
      %dma_wait3A_483 = tpu.memref_squeeze %dma_wait3A_482 : memref<1x512x64xf32, #tpu.memory_space<vmem>> -> memref<512x64xf32, #tpu.memory_space<vmem>>
      %dma_wait3A_484 = arith.constant 0 : i32
      %dma_wait3A_485 = arith.constant 0 : i32
      %dma_wait3A_486 = tpu.memref_slice %arg4[%dma_wait3A_484, %dma_wait3A_485] : memref<819200x64xf32, #tpu.memory_space<hbm>> -> memref<512x64xf32, #tpu.memory_space<hbm>>
      tpu.wait_dma2 semaphore(%arg10 : memref<!tpu.dma_semaphore, #tpu.memory_space<semaphore_mem>>) src(%dma_wait3A_486 : memref<512x64xf32, #tpu.memory_space<hbm>>) dst(%dma_wait3A_483 : memref<512x64xf32, #tpu.memory_space<vmem>>)
      %add3A_487 = arith.constant 3 : i32
      %add3A_488 = arith.addi %add3A_440, %add3A_487 : i32
      %sub3A = arith.constant 1 : i32
      %sub3A_489 = arith.subi %add3A_488, %sub3A : i32
      %mul3A_490 = arith.constant 4 : i32
      %mul3A_491 = arith.muli %sub3A_489, %mul3A_490 : i32
      %add3A_492 = arith.constant 0 : i32
      %add3A_493 = arith.addi %mul3A_491, %add3A_492 : i32
      %mul3A_494 = arith.constant 128 : i32
      %mul3A_495 = arith.muli %add3A_493, %mul3A_494 : i32
      %dma_start3A_496 = arith.constant 0 : i32
      %dma_start3A_497 = arith.constant 0 : i32
      %dma_start3A_498 = arith.constant 0 : i32
      %dma_start3A_499 = tpu.memref_slice %arg6[%dma_start3A_496, %dma_start3A_497, %dma_start3A_498] : memref<3x512x64xf32, #tpu.memory_space<vmem>> -> memref<1x128x64xf32, #tpu.memory_space<vmem>>
      %dma_start3A_500 = tpu.memref_squeeze %dma_start3A_499 : memref<1x128x64xf32, #tpu.memory_space<vmem>> -> memref<128x64xf32, #tpu.memory_space<vmem>>
      %dma_start3A_501 = tpu.memref_slice %arg5[%mul3A_495] : memref<25600xi32, #tpu.memory_space<vmem>> -> memref<128xi32, #tpu.memory_space<vmem>>
      %dma_start3A_502 = arith.constant 0 : i32
      %dma_start3A_503 = arith.constant 0 : i32
      %dma_start3A_504 = tpu.memref_slice %arg3[%dma_start3A_502, %dma_start3A_503] : memref<1000000x64xf32, #tpu.memory_space<hbm>> -> memref<1000000x64xf32, #tpu.memory_space<hbm>>
      tpu.enqueue_indirect_dma source(%dma_start3A_504 : memref<1000000x64xf32, #tpu.memory_space<hbm>>) target(%dma_start3A_500 : memref<128x64xf32, #tpu.memory_space<vmem>>) offsets(%dma_start3A_501 : memref<128xi32, #tpu.memory_space<vmem>>) semaphore(%arg7 : memref<!tpu.dma_semaphore, #tpu.memory_space<semaphore_mem>>)
      %mul3A_505 = arith.constant 4 : i32
      %mul3A_506 = arith.muli %sub3A_489, %mul3A_505 : i32
      %add3A_507 = arith.constant 1 : i32
      %add3A_508 = arith.addi %mul3A_506, %add3A_507 : i32
      %mul3A_509 = arith.constant 128 : i32
      %mul3A_510 = arith.muli %add3A_508, %mul3A_509 : i32
      %dma_start3A_511 = arith.constant 0 : i32
      %dma_start3A_512 = arith.constant 128 : i32
      %dma_start3A_513 = arith.constant 0 : i32
      %dma_start3A_514 = tpu.memref_slice %arg6[%dma_start3A_511, %dma_start3A_512, %dma_start3A_513] : memref<3x512x64xf32, #tpu.memory_space<vmem>> -> memref<1x128x64xf32, #tpu.memory_space<vmem>>
      %dma_start3A_515 = tpu.memref_squeeze %dma_start3A_514 : memref<1x128x64xf32, #tpu.memory_space<vmem>> -> memref<128x64xf32, #tpu.memory_space<vmem>>
      %dma_start3A_516 = tpu.memref_slice %arg5[%mul3A_510] : memref<25600xi32, #tpu.memory_space<vmem>> -> memref<128xi32, #tpu.memory_space<vmem>>
      %dma_start3A_517 = arith.constant 0 : i32
      %dma_start3A_518 = arith.constant 0 : i32
      %dma_start3A_519 = tpu.memref_slice %arg3[%dma_start3A_517, %dma_start3A_518] : memref<1000000x64xf32, #tpu.memory_space<hbm>> -> memref<1000000x64xf32, #tpu.memory_space<hbm>>
      tpu.enqueue_indirect_dma source(%dma_start3A_519 : memref<1000000x64xf32, #tpu.memory_space<hbm>>) target(%dma_start3A_515 : memref<128x64xf32, #tpu.memory_space<vmem>>) offsets(%dma_start3A_516 : memref<128xi32, #tpu.memory_space<vmem>>) semaphore(%arg7 : memref<!tpu.dma_semaphore, #tpu.memory_space<semaphore_mem>>)
      %mul3A_520 = arith.constant 4 : i32
      %mul3A_521 = arith.muli %sub3A_489, %mul3A_520 : i32
      %add3A_522 = arith.constant 2 : i32
      %add3A_523 = arith.addi %mul3A_521, %add3A_522 : i32
      %mul3A_524 = arith.constant 128 : i32
      %mul3A_525 = arith.muli %add3A_523, %mul3A_524 : i32
      %dma_start3A_526 = arith.constant 0 : i32
      %dma_start3A_527 = arith.constant 256 : i32
      %dma_start3A_528 = arith.constant 0 : i32
      %dma_start3A_529 = tpu.memref_slice %arg6[%dma_start3A_526, %dma_start3A_527, %dma_start3A_528] : memref<3x512x64xf32, #tpu.memory_space<vmem>> -> memref<1x128x64xf32, #tpu.memory_space<vmem>>
      %dma_start3A_530 = tpu.memref_squeeze %dma_start3A_529 : memref<1x128x64xf32, #tpu.memory_space<vmem>> -> memref<128x64xf32, #tpu.memory_space<vmem>>
      %dma_start3A_531 = tpu.memref_slice %arg5[%mul3A_525] : memref<25600xi32, #tpu.memory_space<vmem>> -> memref<128xi32, #tpu.memory_space<vmem>>
      %dma_start3A_532 = arith.constant 0 : i32
      %dma_start3A_533 = arith.constant 0 : i32
      %dma_start3A_534 = tpu.memref_slice %arg3[%dma_start3A_532, %dma_start3A_533] : memref<1000000x64xf32, #tpu.memory_space<hbm>> -> memref<1000000x64xf32, #tpu.memory_space<hbm>>
      tpu.enqueue_indirect_dma source(%dma_start3A_534 : memref<1000000x64xf32, #tpu.memory_space<hbm>>) target(%dma_start3A_530 : memref<128x64xf32, #tpu.memory_space<vmem>>) offsets(%dma_start3A_531 : memref<128xi32, #tpu.memory_space<vmem>>) semaphore(%arg7 : memref<!tpu.dma_semaphore, #tpu.memory_space<semaphore_mem>>)
      %mul3A_535 = arith.constant 4 : i32
      %mul3A_536 = arith.muli %sub3A_489, %mul3A_535 : i32
      %add3A_537 = arith.constant 3 : i32
      %add3A_538 = arith.addi %mul3A_536, %add3A_537 : i32
      %mul3A_539 = arith.constant 128 : i32
      %mul3A_540 = arith.muli %add3A_538, %mul3A_539 : i32
      %dma_start3A_541 = arith.constant 0 : i32
      %dma_start3A_542 = arith.constant 384 : i32
      %dma_start3A_543 = arith.constant 0 : i32
      %dma_start3A_544 = tpu.memref_slice %arg6[%dma_start3A_541, %dma_start3A_542, %dma_start3A_543] : memref<3x512x64xf32, #tpu.memory_space<vmem>> -> memref<1x128x64xf32, #tpu.memory_space<vmem>>
      %dma_start3A_545 = tpu.memref_squeeze %dma_start3A_544 : memref<1x128x64xf32, #tpu.memory_space<vmem>> -> memref<128x64xf32, #tpu.memory_space<vmem>>
      %dma_start3A_546 = tpu.memref_slice %arg5[%mul3A_540] : memref<25600xi32, #tpu.memory_space<vmem>> -> memref<128xi32, #tpu.memory_space<vmem>>
      %dma_start3A_547 = arith.constant 0 : i32
      %dma_start3A_548 = arith.constant 0 : i32
      %dma_start3A_549 = tpu.memref_slice %arg3[%dma_start3A_547, %dma_start3A_548] : memref<1000000x64xf32, #tpu.memory_space<hbm>> -> memref<1000000x64xf32, #tpu.memory_space<hbm>>
      tpu.enqueue_indirect_dma source(%dma_start3A_549 : memref<1000000x64xf32, #tpu.memory_space<hbm>>) target(%dma_start3A_545 : memref<128x64xf32, #tpu.memory_space<vmem>>) offsets(%dma_start3A_546 : memref<128xi32, #tpu.memory_space<vmem>>) semaphore(%arg7 : memref<!tpu.dma_semaphore, #tpu.memory_space<semaphore_mem>>)
      %mul3A_550 = arith.constant 3 : i32
      %mul3A_551 = arith.muli %add3A_434, %mul3A_550 : i32
      %add3A_552 = arith.constant 1 : i32
      %add3A_553 = arith.addi %add3A_552, %mul3A_551 : i32
      %add3A_554 = arith.constant 1 : i32
      %add3A_555 = arith.addi %add3A_553, %add3A_554 : i32
      %dma_wait3A_556 = arith.constant 2 : i32
      %dma_wait3A_557 = arith.constant 0 : i32
      %dma_wait3A_558 = arith.constant 0 : i32
      %dma_wait3A_559 = tpu.memref_slice %arg6[%dma_wait3A_556, %dma_wait3A_557, %dma_wait3A_558] : memref<3x512x64xf32, #tpu.memory_space<vmem>> -> memref<1x512x64xf32, #tpu.memory_space<vmem>>
      %dma_wait3A_560 = tpu.memref_squeeze %dma_wait3A_559 : memref<1x512x64xf32, #tpu.memory_space<vmem>> -> memref<512x64xf32, #tpu.memory_space<vmem>>
      %dma_wait3A_561 = arith.constant 0 : i32
      %dma_wait3A_562 = arith.constant 0 : i32
      %dma_wait3A_563 = tpu.memref_slice %arg4[%dma_wait3A_561, %dma_wait3A_562] : memref<819200x64xf32, #tpu.memory_space<hbm>> -> memref<512x64xf32, #tpu.memory_space<hbm>>
      %dma_wait3A_564 = arith.constant 0 : i32
      %dma_wait3A_565 = arith.constant 0 : i32
      %dma_wait3A_566 = tpu.memref_slice %arg6[%dma_wait3A_556, %dma_wait3A_564, %dma_wait3A_565] : memref<3x512x64xf32, #tpu.memory_space<vmem>> -> memref<1x512x64xf32, #tpu.memory_space<vmem>>
      %dma_wait3A_567 = tpu.memref_squeeze %dma_wait3A_566 : memref<1x512x64xf32, #tpu.memory_space<vmem>> -> memref<512x64xf32, #tpu.memory_space<vmem>>
      %dma_wait3A_568 = arith.constant 0 : i32
      %dma_wait3A_569 = arith.constant 0 : i32
      %dma_wait3A_570 = tpu.memref_slice %arg4[%dma_wait3A_568, %dma_wait3A_569] : memref<819200x64xf32, #tpu.memory_space<hbm>> -> memref<512x64xf32, #tpu.memory_space<hbm>>
      tpu.wait_dma2 semaphore(%arg9 : memref<!tpu.dma_semaphore, #tpu.memory_space<semaphore_mem>>) src(%dma_wait3A_570 : memref<512x64xf32, #tpu.memory_space<hbm>>) dst(%dma_wait3A_567 : memref<512x64xf32, #tpu.memory_space<vmem>>)
      %mul3A_571 = arith.constant 512 : i32
      %mul3A_572 = arith.muli %add3A_555, %mul3A_571 : i32
      %add3A_573 = arith.addi %mul3A_2, %mul3A_572 : i32
      %dma_start3A_574 = arith.constant 2 : i32
      %dma_start3A_575 = arith.constant 0 : i32
      %dma_start3A_576 = arith.constant 0 : i32
      %dma_start3A_577 = tpu.memref_slice %arg6[%dma_start3A_574, %dma_start3A_575, %dma_start3A_576] : memref<3x512x64xf32, #tpu.memory_space<vmem>> -> memref<1x512x64xf32, #tpu.memory_space<vmem>>
      %dma_start3A_578 = tpu.memref_squeeze %dma_start3A_577 : memref<1x512x64xf32, #tpu.memory_space<vmem>> -> memref<512x64xf32, #tpu.memory_space<vmem>>
      %dma_start3A_579 = arith.constant 0 : i32
      %dma_start3A_580 = tpu.memref_slice %arg4[%add3A_573, %dma_start3A_579] : memref<819200x64xf32, #tpu.memory_space<hbm>> -> memref<512x64xf32, #tpu.memory_space<hbm>>
      %dma_start3A_581 = arith.constant 0 : i32
      %dma_start3A_582 = tpu.memref_slice %arg4[%add3A_573, %dma_start3A_581] : memref<819200x64xf32, #tpu.memory_space<hbm>> -> memref<512x64xf32, #tpu.memory_space<hbm>>
      %dma_start3A_583 = arith.constant 0 : i32
      %dma_start3A_584 = arith.constant 0 : i32
      %dma_start3A_585 = tpu.memref_slice %arg6[%dma_start3A_574, %dma_start3A_583, %dma_start3A_584] : memref<3x512x64xf32, #tpu.memory_space<vmem>> -> memref<1x512x64xf32, #tpu.memory_space<vmem>>
      %dma_start3A_586 = tpu.memref_squeeze %dma_start3A_585 : memref<1x512x64xf32, #tpu.memory_space<vmem>> -> memref<512x64xf32, #tpu.memory_space<vmem>>
      tpu.enqueue_dma source(%dma_start3A_586 : memref<512x64xf32, #tpu.memory_space<vmem>>) target(%dma_start3A_582 : memref<512x64xf32, #tpu.memory_space<hbm>>) target_semaphore(%arg12 : memref<!tpu.dma_semaphore, #tpu.memory_space<semaphore_mem>>)
      %dma_wait3A_587 = arith.constant 1 : i32
      %dma_wait3A_588 = arith.constant 0 : i32
      %dma_wait3A_589 = arith.constant 0 : i32
      %dma_wait3A_590 = tpu.memref_slice %arg6[%dma_wait3A_587, %dma_wait3A_588, %dma_wait3A_589] : memref<3x512x64xf32, #tpu.memory_space<vmem>> -> memref<1x512x64xf32, #tpu.memory_space<vmem>>
      %dma_wait3A_591 = tpu.memref_squeeze %dma_wait3A_590 : memref<1x512x64xf32, #tpu.memory_space<vmem>> -> memref<512x64xf32, #tpu.memory_space<vmem>>
      %dma_wait3A_592 = arith.constant 0 : i32
      %dma_wait3A_593 = arith.constant 0 : i32
      %dma_wait3A_594 = tpu.memref_slice %arg4[%dma_wait3A_592, %dma_wait3A_593] : memref<819200x64xf32, #tpu.memory_space<hbm>> -> memref<512x64xf32, #tpu.memory_space<hbm>>
      %dma_wait3A_595 = arith.constant 0 : i32
      %dma_wait3A_596 = arith.constant 0 : i32
      %dma_wait3A_597 = tpu.memref_slice %arg6[%dma_wait3A_587, %dma_wait3A_595, %dma_wait3A_596] : memref<3x512x64xf32, #tpu.memory_space<vmem>> -> memref<1x512x64xf32, #tpu.memory_space<vmem>>
      %dma_wait3A_598 = tpu.memref_squeeze %dma_wait3A_597 : memref<1x512x64xf32, #tpu.memory_space<vmem>> -> memref<512x64xf32, #tpu.memory_space<vmem>>
      %dma_wait3A_599 = arith.constant 0 : i32
      %dma_wait3A_600 = arith.constant 0 : i32
      %dma_wait3A_601 = tpu.memref_slice %arg4[%dma_wait3A_599, %dma_wait3A_600] : memref<819200x64xf32, #tpu.memory_space<hbm>> -> memref<512x64xf32, #tpu.memory_space<hbm>>
      tpu.wait_dma2 semaphore(%arg11 : memref<!tpu.dma_semaphore, #tpu.memory_space<semaphore_mem>>) src(%dma_wait3A_601 : memref<512x64xf32, #tpu.memory_space<hbm>>) dst(%dma_wait3A_598 : memref<512x64xf32, #tpu.memory_space<vmem>>)
      %add3A_602 = arith.constant 3 : i32
      %add3A_603 = arith.addi %add3A_555, %add3A_602 : i32
      %sub3A_604 = arith.constant 1 : i32
      %sub3A_605 = arith.subi %add3A_603, %sub3A_604 : i32
      %mul3A_606 = arith.constant 4 : i32
      %mul3A_607 = arith.muli %sub3A_605, %mul3A_606 : i32
      %add3A_608 = arith.constant 0 : i32
      %add3A_609 = arith.addi %mul3A_607, %add3A_608 : i32
      %mul3A_610 = arith.constant 128 : i32
      %mul3A_611 = arith.muli %add3A_609, %mul3A_610 : i32
      %dma_start3A_612 = arith.constant 1 : i32
      %dma_start3A_613 = arith.constant 0 : i32
      %dma_start3A_614 = arith.constant 0 : i32
      %dma_start3A_615 = tpu.memref_slice %arg6[%dma_start3A_612, %dma_start3A_613, %dma_start3A_614] : memref<3x512x64xf32, #tpu.memory_space<vmem>> -> memref<1x128x64xf32, #tpu.memory_space<vmem>>
      %dma_start3A_616 = tpu.memref_squeeze %dma_start3A_615 : memref<1x128x64xf32, #tpu.memory_space<vmem>> -> memref<128x64xf32, #tpu.memory_space<vmem>>
      %dma_start3A_617 = tpu.memref_slice %arg5[%mul3A_611] : memref<25600xi32, #tpu.memory_space<vmem>> -> memref<128xi32, #tpu.memory_space<vmem>>
      %dma_start3A_618 = arith.constant 0 : i32
      %dma_start3A_619 = arith.constant 0 : i32
      %dma_start3A_620 = tpu.memref_slice %arg3[%dma_start3A_618, %dma_start3A_619] : memref<1000000x64xf32, #tpu.memory_space<hbm>> -> memref<1000000x64xf32, #tpu.memory_space<hbm>>
      tpu.enqueue_indirect_dma source(%dma_start3A_620 : memref<1000000x64xf32, #tpu.memory_space<hbm>>) target(%dma_start3A_616 : memref<128x64xf32, #tpu.memory_space<vmem>>) offsets(%dma_start3A_617 : memref<128xi32, #tpu.memory_space<vmem>>) semaphore(%arg8 : memref<!tpu.dma_semaphore, #tpu.memory_space<semaphore_mem>>)
      %mul3A_621 = arith.constant 4 : i32
      %mul3A_622 = arith.muli %sub3A_605, %mul3A_621 : i32
      %add3A_623 = arith.constant 1 : i32
      %add3A_624 = arith.addi %mul3A_622, %add3A_623 : i32
      %mul3A_625 = arith.constant 128 : i32
      %mul3A_626 = arith.muli %add3A_624, %mul3A_625 : i32
      %dma_start3A_627 = arith.constant 1 : i32
      %dma_start3A_628 = arith.constant 128 : i32
      %dma_start3A_629 = arith.constant 0 : i32
      %dma_start3A_630 = tpu.memref_slice %arg6[%dma_start3A_627, %dma_start3A_628, %dma_start3A_629] : memref<3x512x64xf32, #tpu.memory_space<vmem>> -> memref<1x128x64xf32, #tpu.memory_space<vmem>>
      %dma_start3A_631 = tpu.memref_squeeze %dma_start3A_630 : memref<1x128x64xf32, #tpu.memory_space<vmem>> -> memref<128x64xf32, #tpu.memory_space<vmem>>
      %dma_start3A_632 = tpu.memref_slice %arg5[%mul3A_626] : memref<25600xi32, #tpu.memory_space<vmem>> -> memref<128xi32, #tpu.memory_space<vmem>>
      %dma_start3A_633 = arith.constant 0 : i32
      %dma_start3A_634 = arith.constant 0 : i32
      %dma_start3A_635 = tpu.memref_slice %arg3[%dma_start3A_633, %dma_start3A_634] : memref<1000000x64xf32, #tpu.memory_space<hbm>> -> memref<1000000x64xf32, #tpu.memory_space<hbm>>
      tpu.enqueue_indirect_dma source(%dma_start3A_635 : memref<1000000x64xf32, #tpu.memory_space<hbm>>) target(%dma_start3A_631 : memref<128x64xf32, #tpu.memory_space<vmem>>) offsets(%dma_start3A_632 : memref<128xi32, #tpu.memory_space<vmem>>) semaphore(%arg8 : memref<!tpu.dma_semaphore, #tpu.memory_space<semaphore_mem>>)
      %mul3A_636 = arith.constant 4 : i32
      %mul3A_637 = arith.muli %sub3A_605, %mul3A_636 : i32
      %add3A_638 = arith.constant 2 : i32
      %add3A_639 = arith.addi %mul3A_637, %add3A_638 : i32
      %mul3A_640 = arith.constant 128 : i32
      %mul3A_641 = arith.muli %add3A_639, %mul3A_640 : i32
      %dma_start3A_642 = arith.constant 1 : i32
      %dma_start3A_643 = arith.constant 256 : i32
      %dma_start3A_644 = arith.constant 0 : i32
      %dma_start3A_645 = tpu.memref_slice %arg6[%dma_start3A_642, %dma_start3A_643, %dma_start3A_644] : memref<3x512x64xf32, #tpu.memory_space<vmem>> -> memref<1x128x64xf32, #tpu.memory_space<vmem>>
      %dma_start3A_646 = tpu.memref_squeeze %dma_start3A_645 : memref<1x128x64xf32, #tpu.memory_space<vmem>> -> memref<128x64xf32, #tpu.memory_space<vmem>>
      %dma_start3A_647 = tpu.memref_slice %arg5[%mul3A_641] : memref<25600xi32, #tpu.memory_space<vmem>> -> memref<128xi32, #tpu.memory_space<vmem>>
      %dma_start3A_648 = arith.constant 0 : i32
      %dma_start3A_649 = arith.constant 0 : i32
      %dma_start3A_650 = tpu.memref_slice %arg3[%dma_start3A_648, %dma_start3A_649] : memref<1000000x64xf32, #tpu.memory_space<hbm>> -> memref<1000000x64xf32, #tpu.memory_space<hbm>>
      tpu.enqueue_indirect_dma source(%dma_start3A_650 : memref<1000000x64xf32, #tpu.memory_space<hbm>>) target(%dma_start3A_646 : memref<128x64xf32, #tpu.memory_space<vmem>>) offsets(%dma_start3A_647 : memref<128xi32, #tpu.memory_space<vmem>>) semaphore(%arg8 : memref<!tpu.dma_semaphore, #tpu.memory_space<semaphore_mem>>)
      %mul3A_651 = arith.constant 4 : i32
      %mul3A_652 = arith.muli %sub3A_605, %mul3A_651 : i32
      %add3A_653 = arith.constant 3 : i32
      %add3A_654 = arith.addi %mul3A_652, %add3A_653 : i32
      %mul3A_655 = arith.constant 128 : i32
      %mul3A_656 = arith.muli %add3A_654, %mul3A_655 : i32
      %dma_start3A_657 = arith.constant 1 : i32
      %dma_start3A_658 = arith.constant 384 : i32
      %dma_start3A_659 = arith.constant 0 : i32
      %dma_start3A_660 = tpu.memref_slice %arg6[%dma_start3A_657, %dma_start3A_658, %dma_start3A_659] : memref<3x512x64xf32, #tpu.memory_space<vmem>> -> memref<1x128x64xf32, #tpu.memory_space<vmem>>
      %dma_start3A_661 = tpu.memref_squeeze %dma_start3A_660 : memref<1x128x64xf32, #tpu.memory_space<vmem>> -> memref<128x64xf32, #tpu.memory_space<vmem>>
      %dma_start3A_662 = tpu.memref_slice %arg5[%mul3A_656] : memref<25600xi32, #tpu.memory_space<vmem>> -> memref<128xi32, #tpu.memory_space<vmem>>
      %dma_start3A_663 = arith.constant 0 : i32
      %dma_start3A_664 = arith.constant 0 : i32
      %dma_start3A_665 = tpu.memref_slice %arg3[%dma_start3A_663, %dma_start3A_664] : memref<1000000x64xf32, #tpu.memory_space<hbm>> -> memref<1000000x64xf32, #tpu.memory_space<hbm>>
      tpu.enqueue_indirect_dma source(%dma_start3A_665 : memref<1000000x64xf32, #tpu.memory_space<hbm>>) target(%dma_start3A_661 : memref<128x64xf32, #tpu.memory_space<vmem>>) offsets(%dma_start3A_662 : memref<128xi32, #tpu.memory_space<vmem>>) semaphore(%arg8 : memref<!tpu.dma_semaphore, #tpu.memory_space<semaphore_mem>>)
      %mul3A_666 = arith.constant 3 : i32
      %mul3A_667 = arith.muli %add3A_434, %mul3A_666 : i32
      %add3A_668 = arith.constant 1 : i32
      %add3A_669 = arith.addi %add3A_668, %mul3A_667 : i32
      %add3A_670 = arith.constant 2 : i32
      %add3A_671 = arith.addi %add3A_669, %add3A_670 : i32
      %dma_wait3A_672 = arith.constant 0 : i32
      %dma_wait3A_673 = arith.constant 0 : i32
      %dma_wait3A_674 = arith.constant 0 : i32
      %dma_wait3A_675 = tpu.memref_slice %arg6[%dma_wait3A_672, %dma_wait3A_673, %dma_wait3A_674] : memref<3x512x64xf32, #tpu.memory_space<vmem>> -> memref<1x512x64xf32, #tpu.memory_space<vmem>>
      %dma_wait3A_676 = tpu.memref_squeeze %dma_wait3A_675 : memref<1x512x64xf32, #tpu.memory_space<vmem>> -> memref<512x64xf32, #tpu.memory_space<vmem>>
      %dma_wait3A_677 = arith.constant 0 : i32
      %dma_wait3A_678 = arith.constant 0 : i32
      %dma_wait3A_679 = tpu.memref_slice %arg4[%dma_wait3A_677, %dma_wait3A_678] : memref<819200x64xf32, #tpu.memory_space<hbm>> -> memref<512x64xf32, #tpu.memory_space<hbm>>
      %dma_wait3A_680 = arith.constant 0 : i32
      %dma_wait3A_681 = arith.constant 0 : i32
      %dma_wait3A_682 = tpu.memref_slice %arg6[%dma_wait3A_672, %dma_wait3A_680, %dma_wait3A_681] : memref<3x512x64xf32, #tpu.memory_space<vmem>> -> memref<1x512x64xf32, #tpu.memory_space<vmem>>
      %dma_wait3A_683 = tpu.memref_squeeze %dma_wait3A_682 : memref<1x512x64xf32, #tpu.memory_space<vmem>> -> memref<512x64xf32, #tpu.memory_space<vmem>>
      %dma_wait3A_684 = arith.constant 0 : i32
      %dma_wait3A_685 = arith.constant 0 : i32
      %dma_wait3A_686 = tpu.memref_slice %arg4[%dma_wait3A_684, %dma_wait3A_685] : memref<819200x64xf32, #tpu.memory_space<hbm>> -> memref<512x64xf32, #tpu.memory_space<hbm>>
      tpu.wait_dma2 semaphore(%arg7 : memref<!tpu.dma_semaphore, #tpu.memory_space<semaphore_mem>>) src(%dma_wait3A_686 : memref<512x64xf32, #tpu.memory_space<hbm>>) dst(%dma_wait3A_683 : memref<512x64xf32, #tpu.memory_space<vmem>>)
      %mul3A_687 = arith.constant 512 : i32
      %mul3A_688 = arith.muli %add3A_671, %mul3A_687 : i32
      %add3A_689 = arith.addi %mul3A_2, %mul3A_688 : i32
      %dma_start3A_690 = arith.constant 0 : i32
      %dma_start3A_691 = arith.constant 0 : i32
      %dma_start3A_692 = arith.constant 0 : i32
      %dma_start3A_693 = tpu.memref_slice %arg6[%dma_start3A_690, %dma_start3A_691, %dma_start3A_692] : memref<3x512x64xf32, #tpu.memory_space<vmem>> -> memref<1x512x64xf32, #tpu.memory_space<vmem>>
      %dma_start3A_694 = tpu.memref_squeeze %dma_start3A_693 : memref<1x512x64xf32, #tpu.memory_space<vmem>> -> memref<512x64xf32, #tpu.memory_space<vmem>>
      %dma_start3A_695 = arith.constant 0 : i32
      %dma_start3A_696 = tpu.memref_slice %arg4[%add3A_689, %dma_start3A_695] : memref<819200x64xf32, #tpu.memory_space<hbm>> -> memref<512x64xf32, #tpu.memory_space<hbm>>
      %dma_start3A_697 = arith.constant 0 : i32
      %dma_start3A_698 = tpu.memref_slice %arg4[%add3A_689, %dma_start3A_697] : memref<819200x64xf32, #tpu.memory_space<hbm>> -> memref<512x64xf32, #tpu.memory_space<hbm>>
      %dma_start3A_699 = arith.constant 0 : i32
      %dma_start3A_700 = arith.constant 0 : i32
      %dma_start3A_701 = tpu.memref_slice %arg6[%dma_start3A_690, %dma_start3A_699, %dma_start3A_700] : memref<3x512x64xf32, #tpu.memory_space<vmem>> -> memref<1x512x64xf32, #tpu.memory_space<vmem>>
      %dma_start3A_702 = tpu.memref_squeeze %dma_start3A_701 : memref<1x512x64xf32, #tpu.memory_space<vmem>> -> memref<512x64xf32, #tpu.memory_space<vmem>>
      tpu.enqueue_dma source(%dma_start3A_702 : memref<512x64xf32, #tpu.memory_space<vmem>>) target(%dma_start3A_698 : memref<512x64xf32, #tpu.memory_space<hbm>>) target_semaphore(%arg10 : memref<!tpu.dma_semaphore, #tpu.memory_space<semaphore_mem>>)
      %dma_wait3A_703 = arith.constant 2 : i32
      %dma_wait3A_704 = arith.constant 0 : i32
      %dma_wait3A_705 = arith.constant 0 : i32
      %dma_wait3A_706 = tpu.memref_slice %arg6[%dma_wait3A_703, %dma_wait3A_704, %dma_wait3A_705] : memref<3x512x64xf32, #tpu.memory_space<vmem>> -> memref<1x512x64xf32, #tpu.memory_space<vmem>>
      %dma_wait3A_707 = tpu.memref_squeeze %dma_wait3A_706 : memref<1x512x64xf32, #tpu.memory_space<vmem>> -> memref<512x64xf32, #tpu.memory_space<vmem>>
      %dma_wait3A_708 = arith.constant 0 : i32
      %dma_wait3A_709 = arith.constant 0 : i32
      %dma_wait3A_710 = tpu.memref_slice %arg4[%dma_wait3A_708, %dma_wait3A_709] : memref<819200x64xf32, #tpu.memory_space<hbm>> -> memref<512x64xf32, #tpu.memory_space<hbm>>
      %dma_wait3A_711 = arith.constant 0 : i32
      %dma_wait3A_712 = arith.constant 0 : i32
      %dma_wait3A_713 = tpu.memref_slice %arg6[%dma_wait3A_703, %dma_wait3A_711, %dma_wait3A_712] : memref<3x512x64xf32, #tpu.memory_space<vmem>> -> memref<1x512x64xf32, #tpu.memory_space<vmem>>
      %dma_wait3A_714 = tpu.memref_squeeze %dma_wait3A_713 : memref<1x512x64xf32, #tpu.memory_space<vmem>> -> memref<512x64xf32, #tpu.memory_space<vmem>>
      %dma_wait3A_715 = arith.constant 0 : i32
      %dma_wait3A_716 = arith.constant 0 : i32
      %dma_wait3A_717 = tpu.memref_slice %arg4[%dma_wait3A_715, %dma_wait3A_716] : memref<819200x64xf32, #tpu.memory_space<hbm>> -> memref<512x64xf32, #tpu.memory_space<hbm>>
      tpu.wait_dma2 semaphore(%arg12 : memref<!tpu.dma_semaphore, #tpu.memory_space<semaphore_mem>>) src(%dma_wait3A_717 : memref<512x64xf32, #tpu.memory_space<hbm>>) dst(%dma_wait3A_714 : memref<512x64xf32, #tpu.memory_space<vmem>>)
      %add3A_718 = arith.constant 3 : i32
      %add3A_719 = arith.addi %add3A_671, %add3A_718 : i32
      %sub3A_720 = arith.constant 1 : i32
      %sub3A_721 = arith.subi %add3A_719, %sub3A_720 : i32
      %mul3A_722 = arith.constant 4 : i32
      %mul3A_723 = arith.muli %sub3A_721, %mul3A_722 : i32
      %add3A_724 = arith.constant 0 : i32
      %add3A_725 = arith.addi %mul3A_723, %add3A_724 : i32
      %mul3A_726 = arith.constant 128 : i32
      %mul3A_727 = arith.muli %add3A_725, %mul3A_726 : i32
      %dma_start3A_728 = arith.constant 2 : i32
      %dma_start3A_729 = arith.constant 0 : i32
      %dma_start3A_730 = arith.constant 0 : i32
      %dma_start3A_731 = tpu.memref_slice %arg6[%dma_start3A_728, %dma_start3A_729, %dma_start3A_730] : memref<3x512x64xf32, #tpu.memory_space<vmem>> -> memref<1x128x64xf32, #tpu.memory_space<vmem>>
      %dma_start3A_732 = tpu.memref_squeeze %dma_start3A_731 : memref<1x128x64xf32, #tpu.memory_space<vmem>> -> memref<128x64xf32, #tpu.memory_space<vmem>>
      %dma_start3A_733 = tpu.memref_slice %arg5[%mul3A_727] : memref<25600xi32, #tpu.memory_space<vmem>> -> memref<128xi32, #tpu.memory_space<vmem>>
      %dma_start3A_734 = arith.constant 0 : i32
      %dma_start3A_735 = arith.constant 0 : i32
      %dma_start3A_736 = tpu.memref_slice %arg3[%dma_start3A_734, %dma_start3A_735] : memref<1000000x64xf32, #tpu.memory_space<hbm>> -> memref<1000000x64xf32, #tpu.memory_space<hbm>>
      tpu.enqueue_indirect_dma source(%dma_start3A_736 : memref<1000000x64xf32, #tpu.memory_space<hbm>>) target(%dma_start3A_732 : memref<128x64xf32, #tpu.memory_space<vmem>>) offsets(%dma_start3A_733 : memref<128xi32, #tpu.memory_space<vmem>>) semaphore(%arg9 : memref<!tpu.dma_semaphore, #tpu.memory_space<semaphore_mem>>)
      %mul3A_737 = arith.constant 4 : i32
      %mul3A_738 = arith.muli %sub3A_721, %mul3A_737 : i32
      %add3A_739 = arith.constant 1 : i32
      %add3A_740 = arith.addi %mul3A_738, %add3A_739 : i32
      %mul3A_741 = arith.constant 128 : i32
      %mul3A_742 = arith.muli %add3A_740, %mul3A_741 : i32
      %dma_start3A_743 = arith.constant 2 : i32
      %dma_start3A_744 = arith.constant 128 : i32
      %dma_start3A_745 = arith.constant 0 : i32
      %dma_start3A_746 = tpu.memref_slice %arg6[%dma_start3A_743, %dma_start3A_744, %dma_start3A_745] : memref<3x512x64xf32, #tpu.memory_space<vmem>> -> memref<1x128x64xf32, #tpu.memory_space<vmem>>
      %dma_start3A_747 = tpu.memref_squeeze %dma_start3A_746 : memref<1x128x64xf32, #tpu.memory_space<vmem>> -> memref<128x64xf32, #tpu.memory_space<vmem>>
      %dma_start3A_748 = tpu.memref_slice %arg5[%mul3A_742] : memref<25600xi32, #tpu.memory_space<vmem>> -> memref<128xi32, #tpu.memory_space<vmem>>
      %dma_start3A_749 = arith.constant 0 : i32
      %dma_start3A_750 = arith.constant 0 : i32
      %dma_start3A_751 = tpu.memref_slice %arg3[%dma_start3A_749, %dma_start3A_750] : memref<1000000x64xf32, #tpu.memory_space<hbm>> -> memref<1000000x64xf32, #tpu.memory_space<hbm>>
      tpu.enqueue_indirect_dma source(%dma_start3A_751 : memref<1000000x64xf32, #tpu.memory_space<hbm>>) target(%dma_start3A_747 : memref<128x64xf32, #tpu.memory_space<vmem>>) offsets(%dma_start3A_748 : memref<128xi32, #tpu.memory_space<vmem>>) semaphore(%arg9 : memref<!tpu.dma_semaphore, #tpu.memory_space<semaphore_mem>>)
      %mul3A_752 = arith.constant 4 : i32
      %mul3A_753 = arith.muli %sub3A_721, %mul3A_752 : i32
      %add3A_754 = arith.constant 2 : i32
      %add3A_755 = arith.addi %mul3A_753, %add3A_754 : i32
      %mul3A_756 = arith.constant 128 : i32
      %mul3A_757 = arith.muli %add3A_755, %mul3A_756 : i32
      %dma_start3A_758 = arith.constant 2 : i32
      %dma_start3A_759 = arith.constant 256 : i32
      %dma_start3A_760 = arith.constant 0 : i32
      %dma_start3A_761 = tpu.memref_slice %arg6[%dma_start3A_758, %dma_start3A_759, %dma_start3A_760] : memref<3x512x64xf32, #tpu.memory_space<vmem>> -> memref<1x128x64xf32, #tpu.memory_space<vmem>>
      %dma_start3A_762 = tpu.memref_squeeze %dma_start3A_761 : memref<1x128x64xf32, #tpu.memory_space<vmem>> -> memref<128x64xf32, #tpu.memory_space<vmem>>
      %dma_start3A_763 = tpu.memref_slice %arg5[%mul3A_757] : memref<25600xi32, #tpu.memory_space<vmem>> -> memref<128xi32, #tpu.memory_space<vmem>>
      %dma_start3A_764 = arith.constant 0 : i32
      %dma_start3A_765 = arith.constant 0 : i32
      %dma_start3A_766 = tpu.memref_slice %arg3[%dma_start3A_764, %dma_start3A_765] : memref<1000000x64xf32, #tpu.memory_space<hbm>> -> memref<1000000x64xf32, #tpu.memory_space<hbm>>
      tpu.enqueue_indirect_dma source(%dma_start3A_766 : memref<1000000x64xf32, #tpu.memory_space<hbm>>) target(%dma_start3A_762 : memref<128x64xf32, #tpu.memory_space<vmem>>) offsets(%dma_start3A_763 : memref<128xi32, #tpu.memory_space<vmem>>) semaphore(%arg9 : memref<!tpu.dma_semaphore, #tpu.memory_space<semaphore_mem>>)
      %mul3A_767 = arith.constant 4 : i32
      %mul3A_768 = arith.muli %sub3A_721, %mul3A_767 : i32
      %add3A_769 = arith.constant 3 : i32
      %add3A_770 = arith.addi %mul3A_768, %add3A_769 : i32
      %mul3A_771 = arith.constant 128 : i32
      %mul3A_772 = arith.muli %add3A_770, %mul3A_771 : i32
      %dma_start3A_773 = arith.constant 2 : i32
      %dma_start3A_774 = arith.constant 384 : i32
      %dma_start3A_775 = arith.constant 0 : i32
      %dma_start3A_776 = tpu.memref_slice %arg6[%dma_start3A_773, %dma_start3A_774, %dma_start3A_775] : memref<3x512x64xf32, #tpu.memory_space<vmem>> -> memref<1x128x64xf32, #tpu.memory_space<vmem>>
      %dma_start3A_777 = tpu.memref_squeeze %dma_start3A_776 : memref<1x128x64xf32, #tpu.memory_space<vmem>> -> memref<128x64xf32, #tpu.memory_space<vmem>>
      %dma_start3A_778 = tpu.memref_slice %arg5[%mul3A_772] : memref<25600xi32, #tpu.memory_space<vmem>> -> memref<128xi32, #tpu.memory_space<vmem>>
      %dma_start3A_779 = arith.constant 0 : i32
      %dma_start3A_780 = arith.constant 0 : i32
      %dma_start3A_781 = tpu.memref_slice %arg3[%dma_start3A_779, %dma_start3A_780] : memref<1000000x64xf32, #tpu.memory_space<hbm>> -> memref<1000000x64xf32, #tpu.memory_space<hbm>>
      tpu.enqueue_indirect_dma source(%dma_start3A_781 : memref<1000000x64xf32, #tpu.memory_space<hbm>>) target(%dma_start3A_777 : memref<128x64xf32, #tpu.memory_space<vmem>>) offsets(%dma_start3A_778 : memref<128xi32, #tpu.memory_space<vmem>>) semaphore(%arg9 : memref<!tpu.dma_semaphore, #tpu.memory_space<semaphore_mem>>)
    }
    %scan3A_154 = arith.constant 15 : i32
    %dma_wait3A_155 = arith.constant 1 : i32
    %dma_wait3A_156 = arith.constant 0 : i32
    %dma_wait3A_157 = arith.constant 0 : i32
    %dma_wait3A_158 = tpu.memref_slice %arg6[%dma_wait3A_155, %dma_wait3A_156, %dma_wait3A_157] : memref<3x512x64xf32, #tpu.memory_space<vmem>> -> memref<1x512x64xf32, #tpu.memory_space<vmem>>
    %dma_wait3A_159 = tpu.memref_squeeze %dma_wait3A_158 : memref<1x512x64xf32, #tpu.memory_space<vmem>> -> memref<512x64xf32, #tpu.memory_space<vmem>>
    %dma_wait3A_160 = arith.constant 0 : i32
    %dma_wait3A_161 = arith.constant 0 : i32
    %dma_wait3A_162 = tpu.memref_slice %arg4[%dma_wait3A_160, %dma_wait3A_161] : memref<819200x64xf32, #tpu.memory_space<hbm>> -> memref<512x64xf32, #tpu.memory_space<hbm>>
    %dma_wait3A_163 = arith.constant 0 : i32
    %dma_wait3A_164 = arith.constant 0 : i32
    %dma_wait3A_165 = tpu.memref_slice %arg6[%dma_wait3A_155, %dma_wait3A_163, %dma_wait3A_164] : memref<3x512x64xf32, #tpu.memory_space<vmem>> -> memref<1x512x64xf32, #tpu.memory_space<vmem>>
    %dma_wait3A_166 = tpu.memref_squeeze %dma_wait3A_165 : memref<1x512x64xf32, #tpu.memory_space<vmem>> -> memref<512x64xf32, #tpu.memory_space<vmem>>
    %dma_wait3A_167 = arith.constant 0 : i32
    %dma_wait3A_168 = arith.constant 0 : i32
    %dma_wait3A_169 = tpu.memref_slice %arg4[%dma_wait3A_167, %dma_wait3A_168] : memref<819200x64xf32, #tpu.memory_space<hbm>> -> memref<512x64xf32, #tpu.memory_space<hbm>>
    tpu.wait_dma2 semaphore(%arg8 : memref<!tpu.dma_semaphore, #tpu.memory_space<semaphore_mem>>) src(%dma_wait3A_169 : memref<512x64xf32, #tpu.memory_space<hbm>>) dst(%dma_wait3A_166 : memref<512x64xf32, #tpu.memory_space<vmem>>)
    %add3A_170 = arith.constant 23552 : i32
    %add3A_171 = arith.addi %mul3A_2, %add3A_170 : i32
    %dma_start3A_172 = arith.constant 1 : i32
    %dma_start3A_173 = arith.constant 0 : i32
    %dma_start3A_174 = arith.constant 0 : i32
    %dma_start3A_175 = tpu.memref_slice %arg6[%dma_start3A_172, %dma_start3A_173, %dma_start3A_174] : memref<3x512x64xf32, #tpu.memory_space<vmem>> -> memref<1x512x64xf32, #tpu.memory_space<vmem>>
    %dma_start3A_176 = tpu.memref_squeeze %dma_start3A_175 : memref<1x512x64xf32, #tpu.memory_space<vmem>> -> memref<512x64xf32, #tpu.memory_space<vmem>>
    %dma_start3A_177 = arith.constant 0 : i32
    %dma_start3A_178 = tpu.memref_slice %arg4[%add3A_171, %dma_start3A_177] : memref<819200x64xf32, #tpu.memory_space<hbm>> -> memref<512x64xf32, #tpu.memory_space<hbm>>
    %dma_start3A_179 = arith.constant 0 : i32
    %dma_start3A_180 = tpu.memref_slice %arg4[%add3A_171, %dma_start3A_179] : memref<819200x64xf32, #tpu.memory_space<hbm>> -> memref<512x64xf32, #tpu.memory_space<hbm>>
    %dma_start3A_181 = arith.constant 0 : i32
    %dma_start3A_182 = arith.constant 0 : i32
    %dma_start3A_183 = tpu.memref_slice %arg6[%dma_start3A_172, %dma_start3A_181, %dma_start3A_182] : memref<3x512x64xf32, #tpu.memory_space<vmem>> -> memref<1x512x64xf32, #tpu.memory_space<vmem>>
    %dma_start3A_184 = tpu.memref_squeeze %dma_start3A_183 : memref<1x512x64xf32, #tpu.memory_space<vmem>> -> memref<512x64xf32, #tpu.memory_space<vmem>>
    tpu.enqueue_dma source(%dma_start3A_184 : memref<512x64xf32, #tpu.memory_space<vmem>>) target(%dma_start3A_180 : memref<512x64xf32, #tpu.memory_space<hbm>>) target_semaphore(%arg11 : memref<!tpu.dma_semaphore, #tpu.memory_space<semaphore_mem>>)
    %dma_wait3A_185 = arith.constant 0 : i32
    %dma_wait3A_186 = arith.constant 0 : i32
    %dma_wait3A_187 = arith.constant 0 : i32
    %dma_wait3A_188 = tpu.memref_slice %arg6[%dma_wait3A_185, %dma_wait3A_186, %dma_wait3A_187] : memref<3x512x64xf32, #tpu.memory_space<vmem>> -> memref<1x512x64xf32, #tpu.memory_space<vmem>>
    %dma_wait3A_189 = tpu.memref_squeeze %dma_wait3A_188 : memref<1x512x64xf32, #tpu.memory_space<vmem>> -> memref<512x64xf32, #tpu.memory_space<vmem>>
    %dma_wait3A_190 = arith.constant 0 : i32
    %dma_wait3A_191 = arith.constant 0 : i32
    %dma_wait3A_192 = tpu.memref_slice %arg4[%dma_wait3A_190, %dma_wait3A_191] : memref<819200x64xf32, #tpu.memory_space<hbm>> -> memref<512x64xf32, #tpu.memory_space<hbm>>
    %dma_wait3A_193 = arith.constant 0 : i32
    %dma_wait3A_194 = arith.constant 0 : i32
    %dma_wait3A_195 = tpu.memref_slice %arg6[%dma_wait3A_185, %dma_wait3A_193, %dma_wait3A_194] : memref<3x512x64xf32, #tpu.memory_space<vmem>> -> memref<1x512x64xf32, #tpu.memory_space<vmem>>
    %dma_wait3A_196 = tpu.memref_squeeze %dma_wait3A_195 : memref<1x512x64xf32, #tpu.memory_space<vmem>> -> memref<512x64xf32, #tpu.memory_space<vmem>>
    %dma_wait3A_197 = arith.constant 0 : i32
    %dma_wait3A_198 = arith.constant 0 : i32
    %dma_wait3A_199 = tpu.memref_slice %arg4[%dma_wait3A_197, %dma_wait3A_198] : memref<819200x64xf32, #tpu.memory_space<hbm>> -> memref<512x64xf32, #tpu.memory_space<hbm>>
    tpu.wait_dma2 semaphore(%arg10 : memref<!tpu.dma_semaphore, #tpu.memory_space<semaphore_mem>>) src(%dma_wait3A_199 : memref<512x64xf32, #tpu.memory_space<hbm>>) dst(%dma_wait3A_196 : memref<512x64xf32, #tpu.memory_space<vmem>>)
    %dma_start3A_200 = arith.constant 0 : i32
    %dma_start3A_201 = arith.constant 0 : i32
    %dma_start3A_202 = arith.constant 0 : i32
    %dma_start3A_203 = tpu.memref_slice %arg6[%dma_start3A_200, %dma_start3A_201, %dma_start3A_202] : memref<3x512x64xf32, #tpu.memory_space<vmem>> -> memref<1x128x64xf32, #tpu.memory_space<vmem>>
    %dma_start3A_204 = tpu.memref_squeeze %dma_start3A_203 : memref<1x128x64xf32, #tpu.memory_space<vmem>> -> memref<128x64xf32, #tpu.memory_space<vmem>>
    %dma_start3A_205 = arith.constant 24576 : i32
    %dma_start3A_206 = tpu.memref_slice %arg5[%dma_start3A_205] : memref<25600xi32, #tpu.memory_space<vmem>> -> memref<128xi32, #tpu.memory_space<vmem>>
    %dma_start3A_207 = arith.constant 0 : i32
    %dma_start3A_208 = arith.constant 0 : i32
    %dma_start3A_209 = tpu.memref_slice %arg3[%dma_start3A_207, %dma_start3A_208] : memref<1000000x64xf32, #tpu.memory_space<hbm>> -> memref<1000000x64xf32, #tpu.memory_space<hbm>>
    tpu.enqueue_indirect_dma source(%dma_start3A_209 : memref<1000000x64xf32, #tpu.memory_space<hbm>>) target(%dma_start3A_204 : memref<128x64xf32, #tpu.memory_space<vmem>>) offsets(%dma_start3A_206 : memref<128xi32, #tpu.memory_space<vmem>>) semaphore(%arg7 : memref<!tpu.dma_semaphore, #tpu.memory_space<semaphore_mem>>)
    %dma_start3A_210 = arith.constant 0 : i32
    %dma_start3A_211 = arith.constant 128 : i32
    %dma_start3A_212 = arith.constant 0 : i32
    %dma_start3A_213 = tpu.memref_slice %arg6[%dma_start3A_210, %dma_start3A_211, %dma_start3A_212] : memref<3x512x64xf32, #tpu.memory_space<vmem>> -> memref<1x128x64xf32, #tpu.memory_space<vmem>>
    %dma_start3A_214 = tpu.memref_squeeze %dma_start3A_213 : memref<1x128x64xf32, #tpu.memory_space<vmem>> -> memref<128x64xf32, #tpu.memory_space<vmem>>
    %dma_start3A_215 = arith.constant 24704 : i32
    %dma_start3A_216 = tpu.memref_slice %arg5[%dma_start3A_215] : memref<25600xi32, #tpu.memory_space<vmem>> -> memref<128xi32, #tpu.memory_space<vmem>>
    %dma_start3A_217 = arith.constant 0 : i32
    %dma_start3A_218 = arith.constant 0 : i32
    %dma_start3A_219 = tpu.memref_slice %arg3[%dma_start3A_217, %dma_start3A_218] : memref<1000000x64xf32, #tpu.memory_space<hbm>> -> memref<1000000x64xf32, #tpu.memory_space<hbm>>
    tpu.enqueue_indirect_dma source(%dma_start3A_219 : memref<1000000x64xf32, #tpu.memory_space<hbm>>) target(%dma_start3A_214 : memref<128x64xf32, #tpu.memory_space<vmem>>) offsets(%dma_start3A_216 : memref<128xi32, #tpu.memory_space<vmem>>) semaphore(%arg7 : memref<!tpu.dma_semaphore, #tpu.memory_space<semaphore_mem>>)
    %dma_start3A_220 = arith.constant 0 : i32
    %dma_start3A_221 = arith.constant 256 : i32
    %dma_start3A_222 = arith.constant 0 : i32
    %dma_start3A_223 = tpu.memref_slice %arg6[%dma_start3A_220, %dma_start3A_221, %dma_start3A_222] : memref<3x512x64xf32, #tpu.memory_space<vmem>> -> memref<1x128x64xf32, #tpu.memory_space<vmem>>
    %dma_start3A_224 = tpu.memref_squeeze %dma_start3A_223 : memref<1x128x64xf32, #tpu.memory_space<vmem>> -> memref<128x64xf32, #tpu.memory_space<vmem>>
    %dma_start3A_225 = arith.constant 24832 : i32
    %dma_start3A_226 = tpu.memref_slice %arg5[%dma_start3A_225] : memref<25600xi32, #tpu.memory_space<vmem>> -> memref<128xi32, #tpu.memory_space<vmem>>
    %dma_start3A_227 = arith.constant 0 : i32
    %dma_start3A_228 = arith.constant 0 : i32
    %dma_start3A_229 = tpu.memref_slice %arg3[%dma_start3A_227, %dma_start3A_228] : memref<1000000x64xf32, #tpu.memory_space<hbm>> -> memref<1000000x64xf32, #tpu.memory_space<hbm>>
    tpu.enqueue_indirect_dma source(%dma_start3A_229 : memref<1000000x64xf32, #tpu.memory_space<hbm>>) target(%dma_start3A_224 : memref<128x64xf32, #tpu.memory_space<vmem>>) offsets(%dma_start3A_226 : memref<128xi32, #tpu.memory_space<vmem>>) semaphore(%arg7 : memref<!tpu.dma_semaphore, #tpu.memory_space<semaphore_mem>>)
    %dma_start3A_230 = arith.constant 0 : i32
    %dma_start3A_231 = arith.constant 384 : i32
    %dma_start3A_232 = arith.constant 0 : i32
    %dma_start3A_233 = tpu.memref_slice %arg6[%dma_start3A_230, %dma_start3A_231, %dma_start3A_232] : memref<3x512x64xf32, #tpu.memory_space<vmem>> -> memref<1x128x64xf32, #tpu.memory_space<vmem>>
    %dma_start3A_234 = tpu.memref_squeeze %dma_start3A_233 : memref<1x128x64xf32, #tpu.memory_space<vmem>> -> memref<128x64xf32, #tpu.memory_space<vmem>>
    %dma_start3A_235 = arith.constant 24960 : i32
    %dma_start3A_236 = tpu.memref_slice %arg5[%dma_start3A_235] : memref<25600xi32, #tpu.memory_space<vmem>> -> memref<128xi32, #tpu.memory_space<vmem>>
    %dma_start3A_237 = arith.constant 0 : i32
    %dma_start3A_238 = arith.constant 0 : i32
    %dma_start3A_239 = tpu.memref_slice %arg3[%dma_start3A_237, %dma_start3A_238] : memref<1000000x64xf32, #tpu.memory_space<hbm>> -> memref<1000000x64xf32, #tpu.memory_space<hbm>>
    tpu.enqueue_indirect_dma source(%dma_start3A_239 : memref<1000000x64xf32, #tpu.memory_space<hbm>>) target(%dma_start3A_234 : memref<128x64xf32, #tpu.memory_space<vmem>>) offsets(%dma_start3A_236 : memref<128xi32, #tpu.memory_space<vmem>>) semaphore(%arg7 : memref<!tpu.dma_semaphore, #tpu.memory_space<semaphore_mem>>)
    %dma_wait3A_240 = arith.constant 2 : i32
    %dma_wait3A_241 = arith.constant 0 : i32
    %dma_wait3A_242 = arith.constant 0 : i32
    %dma_wait3A_243 = tpu.memref_slice %arg6[%dma_wait3A_240, %dma_wait3A_241, %dma_wait3A_242] : memref<3x512x64xf32, #tpu.memory_space<vmem>> -> memref<1x512x64xf32, #tpu.memory_space<vmem>>
    %dma_wait3A_244 = tpu.memref_squeeze %dma_wait3A_243 : memref<1x512x64xf32, #tpu.memory_space<vmem>> -> memref<512x64xf32, #tpu.memory_space<vmem>>
    %dma_wait3A_245 = arith.constant 0 : i32
    %dma_wait3A_246 = arith.constant 0 : i32
    %dma_wait3A_247 = tpu.memref_slice %arg4[%dma_wait3A_245, %dma_wait3A_246] : memref<819200x64xf32, #tpu.memory_space<hbm>> -> memref<512x64xf32, #tpu.memory_space<hbm>>
    %dma_wait3A_248 = arith.constant 0 : i32
    %dma_wait3A_249 = arith.constant 0 : i32
    %dma_wait3A_250 = tpu.memref_slice %arg6[%dma_wait3A_240, %dma_wait3A_248, %dma_wait3A_249] : memref<3x512x64xf32, #tpu.memory_space<vmem>> -> memref<1x512x64xf32, #tpu.memory_space<vmem>>
    %dma_wait3A_251 = tpu.memref_squeeze %dma_wait3A_250 : memref<1x512x64xf32, #tpu.memory_space<vmem>> -> memref<512x64xf32, #tpu.memory_space<vmem>>
    %dma_wait3A_252 = arith.constant 0 : i32
    %dma_wait3A_253 = arith.constant 0 : i32
    %dma_wait3A_254 = tpu.memref_slice %arg4[%dma_wait3A_252, %dma_wait3A_253] : memref<819200x64xf32, #tpu.memory_space<hbm>> -> memref<512x64xf32, #tpu.memory_space<hbm>>
    tpu.wait_dma2 semaphore(%arg9 : memref<!tpu.dma_semaphore, #tpu.memory_space<semaphore_mem>>) src(%dma_wait3A_254 : memref<512x64xf32, #tpu.memory_space<hbm>>) dst(%dma_wait3A_251 : memref<512x64xf32, #tpu.memory_space<vmem>>)
    %add3A_255 = arith.constant 24064 : i32
    %add3A_256 = arith.addi %mul3A_2, %add3A_255 : i32
    %dma_start3A_257 = arith.constant 2 : i32
    %dma_start3A_258 = arith.constant 0 : i32
    %dma_start3A_259 = arith.constant 0 : i32
    %dma_start3A_260 = tpu.memref_slice %arg6[%dma_start3A_257, %dma_start3A_258, %dma_start3A_259] : memref<3x512x64xf32, #tpu.memory_space<vmem>> -> memref<1x512x64xf32, #tpu.memory_space<vmem>>
    %dma_start3A_261 = tpu.memref_squeeze %dma_start3A_260 : memref<1x512x64xf32, #tpu.memory_space<vmem>> -> memref<512x64xf32, #tpu.memory_space<vmem>>
    %dma_start3A_262 = arith.constant 0 : i32
    %dma_start3A_263 = tpu.memref_slice %arg4[%add3A_256, %dma_start3A_262] : memref<819200x64xf32, #tpu.memory_space<hbm>> -> memref<512x64xf32, #tpu.memory_space<hbm>>
    %dma_start3A_264 = arith.constant 0 : i32
    %dma_start3A_265 = tpu.memref_slice %arg4[%add3A_256, %dma_start3A_264] : memref<819200x64xf32, #tpu.memory_space<hbm>> -> memref<512x64xf32, #tpu.memory_space<hbm>>
    %dma_start3A_266 = arith.constant 0 : i32
    %dma_start3A_267 = arith.constant 0 : i32
    %dma_start3A_268 = tpu.memref_slice %arg6[%dma_start3A_257, %dma_start3A_266, %dma_start3A_267] : memref<3x512x64xf32, #tpu.memory_space<vmem>> -> memref<1x512x64xf32, #tpu.memory_space<vmem>>
    %dma_start3A_269 = tpu.memref_squeeze %dma_start3A_268 : memref<1x512x64xf32, #tpu.memory_space<vmem>> -> memref<512x64xf32, #tpu.memory_space<vmem>>
    tpu.enqueue_dma source(%dma_start3A_269 : memref<512x64xf32, #tpu.memory_space<vmem>>) target(%dma_start3A_265 : memref<512x64xf32, #tpu.memory_space<hbm>>) target_semaphore(%arg12 : memref<!tpu.dma_semaphore, #tpu.memory_space<semaphore_mem>>)
    %dma_wait3A_270 = arith.constant 1 : i32
    %dma_wait3A_271 = arith.constant 0 : i32
    %dma_wait3A_272 = arith.constant 0 : i32
    %dma_wait3A_273 = tpu.memref_slice %arg6[%dma_wait3A_270, %dma_wait3A_271, %dma_wait3A_272] : memref<3x512x64xf32, #tpu.memory_space<vmem>> -> memref<1x512x64xf32, #tpu.memory_space<vmem>>
    %dma_wait3A_274 = tpu.memref_squeeze %dma_wait3A_273 : memref<1x512x64xf32, #tpu.memory_space<vmem>> -> memref<512x64xf32, #tpu.memory_space<vmem>>
    %dma_wait3A_275 = arith.constant 0 : i32
    %dma_wait3A_276 = arith.constant 0 : i32
    %dma_wait3A_277 = tpu.memref_slice %arg4[%dma_wait3A_275, %dma_wait3A_276] : memref<819200x64xf32, #tpu.memory_space<hbm>> -> memref<512x64xf32, #tpu.memory_space<hbm>>
    %dma_wait3A_278 = arith.constant 0 : i32
    %dma_wait3A_279 = arith.constant 0 : i32
    %dma_wait3A_280 = tpu.memref_slice %arg6[%dma_wait3A_270, %dma_wait3A_278, %dma_wait3A_279] : memref<3x512x64xf32, #tpu.memory_space<vmem>> -> memref<1x512x64xf32, #tpu.memory_space<vmem>>
    %dma_wait3A_281 = tpu.memref_squeeze %dma_wait3A_280 : memref<1x512x64xf32, #tpu.memory_space<vmem>> -> memref<512x64xf32, #tpu.memory_space<vmem>>
    %dma_wait3A_282 = arith.constant 0 : i32
    %dma_wait3A_283 = arith.constant 0 : i32
    %dma_wait3A_284 = tpu.memref_slice %arg4[%dma_wait3A_282, %dma_wait3A_283] : memref<819200x64xf32, #tpu.memory_space<hbm>> -> memref<512x64xf32, #tpu.memory_space<hbm>>
    tpu.wait_dma2 semaphore(%arg11 : memref<!tpu.dma_semaphore, #tpu.memory_space<semaphore_mem>>) src(%dma_wait3A_284 : memref<512x64xf32, #tpu.memory_space<hbm>>) dst(%dma_wait3A_281 : memref<512x64xf32, #tpu.memory_space<vmem>>)
    %dma_start3A_285 = arith.constant 1 : i32
    %dma_start3A_286 = arith.constant 0 : i32
    %dma_start3A_287 = arith.constant 0 : i32
    %dma_start3A_288 = tpu.memref_slice %arg6[%dma_start3A_285, %dma_start3A_286, %dma_start3A_287] : memref<3x512x64xf32, #tpu.memory_space<vmem>> -> memref<1x128x64xf32, #tpu.memory_space<vmem>>
    %dma_start3A_289 = tpu.memref_squeeze %dma_start3A_288 : memref<1x128x64xf32, #tpu.memory_space<vmem>> -> memref<128x64xf32, #tpu.memory_space<vmem>>
    %dma_start3A_290 = arith.constant 25088 : i32
    %dma_start3A_291 = tpu.memref_slice %arg5[%dma_start3A_290] : memref<25600xi32, #tpu.memory_space<vmem>> -> memref<128xi32, #tpu.memory_space<vmem>>
    %dma_start3A_292 = arith.constant 0 : i32
    %dma_start3A_293 = arith.constant 0 : i32
    %dma_start3A_294 = tpu.memref_slice %arg3[%dma_start3A_292, %dma_start3A_293] : memref<1000000x64xf32, #tpu.memory_space<hbm>> -> memref<1000000x64xf32, #tpu.memory_space<hbm>>
    tpu.enqueue_indirect_dma source(%dma_start3A_294 : memref<1000000x64xf32, #tpu.memory_space<hbm>>) target(%dma_start3A_289 : memref<128x64xf32, #tpu.memory_space<vmem>>) offsets(%dma_start3A_291 : memref<128xi32, #tpu.memory_space<vmem>>) semaphore(%arg8 : memref<!tpu.dma_semaphore, #tpu.memory_space<semaphore_mem>>)
    %dma_start3A_295 = arith.constant 1 : i32
    %dma_start3A_296 = arith.constant 128 : i32
    %dma_start3A_297 = arith.constant 0 : i32
    %dma_start3A_298 = tpu.memref_slice %arg6[%dma_start3A_295, %dma_start3A_296, %dma_start3A_297] : memref<3x512x64xf32, #tpu.memory_space<vmem>> -> memref<1x128x64xf32, #tpu.memory_space<vmem>>
    %dma_start3A_299 = tpu.memref_squeeze %dma_start3A_298 : memref<1x128x64xf32, #tpu.memory_space<vmem>> -> memref<128x64xf32, #tpu.memory_space<vmem>>
    %dma_start3A_300 = arith.constant 25216 : i32
    %dma_start3A_301 = tpu.memref_slice %arg5[%dma_start3A_300] : memref<25600xi32, #tpu.memory_space<vmem>> -> memref<128xi32, #tpu.memory_space<vmem>>
    %dma_start3A_302 = arith.constant 0 : i32
    %dma_start3A_303 = arith.constant 0 : i32
    %dma_start3A_304 = tpu.memref_slice %arg3[%dma_start3A_302, %dma_start3A_303] : memref<1000000x64xf32, #tpu.memory_space<hbm>> -> memref<1000000x64xf32, #tpu.memory_space<hbm>>
    tpu.enqueue_indirect_dma source(%dma_start3A_304 : memref<1000000x64xf32, #tpu.memory_space<hbm>>) target(%dma_start3A_299 : memref<128x64xf32, #tpu.memory_space<vmem>>) offsets(%dma_start3A_301 : memref<128xi32, #tpu.memory_space<vmem>>) semaphore(%arg8 : memref<!tpu.dma_semaphore, #tpu.memory_space<semaphore_mem>>)
    %dma_start3A_305 = arith.constant 1 : i32
    %dma_start3A_306 = arith.constant 256 : i32
    %dma_start3A_307 = arith.constant 0 : i32
    %dma_start3A_308 = tpu.memref_slice %arg6[%dma_start3A_305, %dma_start3A_306, %dma_start3A_307] : memref<3x512x64xf32, #tpu.memory_space<vmem>> -> memref<1x128x64xf32, #tpu.memory_space<vmem>>
    %dma_start3A_309 = tpu.memref_squeeze %dma_start3A_308 : memref<1x128x64xf32, #tpu.memory_space<vmem>> -> memref<128x64xf32, #tpu.memory_space<vmem>>
    %dma_start3A_310 = arith.constant 25344 : i32
    %dma_start3A_311 = tpu.memref_slice %arg5[%dma_start3A_310] : memref<25600xi32, #tpu.memory_space<vmem>> -> memref<128xi32, #tpu.memory_space<vmem>>
    %dma_start3A_312 = arith.constant 0 : i32
    %dma_start3A_313 = arith.constant 0 : i32
    %dma_start3A_314 = tpu.memref_slice %arg3[%dma_start3A_312, %dma_start3A_313] : memref<1000000x64xf32, #tpu.memory_space<hbm>> -> memref<1000000x64xf32, #tpu.memory_space<hbm>>
    tpu.enqueue_indirect_dma source(%dma_start3A_314 : memref<1000000x64xf32, #tpu.memory_space<hbm>>) target(%dma_start3A_309 : memref<128x64xf32, #tpu.memory_space<vmem>>) offsets(%dma_start3A_311 : memref<128xi32, #tpu.memory_space<vmem>>) semaphore(%arg8 : memref<!tpu.dma_semaphore, #tpu.memory_space<semaphore_mem>>)
    %dma_start3A_315 = arith.constant 1 : i32
    %dma_start3A_316 = arith.constant 384 : i32
    %dma_start3A_317 = arith.constant 0 : i32
    %dma_start3A_318 = tpu.memref_slice %arg6[%dma_start3A_315, %dma_start3A_316, %dma_start3A_317] : memref<3x512x64xf32, #tpu.memory_space<vmem>> -> memref<1x128x64xf32, #tpu.memory_space<vmem>>
    %dma_start3A_319 = tpu.memref_squeeze %dma_start3A_318 : memref<1x128x64xf32, #tpu.memory_space<vmem>> -> memref<128x64xf32, #tpu.memory_space<vmem>>
    %dma_start3A_320 = arith.constant 25472 : i32
    %dma_start3A_321 = tpu.memref_slice %arg5[%dma_start3A_320] : memref<25600xi32, #tpu.memory_space<vmem>> -> memref<128xi32, #tpu.memory_space<vmem>>
    %dma_start3A_322 = arith.constant 0 : i32
    %dma_start3A_323 = arith.constant 0 : i32
    %dma_start3A_324 = tpu.memref_slice %arg3[%dma_start3A_322, %dma_start3A_323] : memref<1000000x64xf32, #tpu.memory_space<hbm>> -> memref<1000000x64xf32, #tpu.memory_space<hbm>>
    tpu.enqueue_indirect_dma source(%dma_start3A_324 : memref<1000000x64xf32, #tpu.memory_space<hbm>>) target(%dma_start3A_319 : memref<128x64xf32, #tpu.memory_space<vmem>>) offsets(%dma_start3A_321 : memref<128xi32, #tpu.memory_space<vmem>>) semaphore(%arg8 : memref<!tpu.dma_semaphore, #tpu.memory_space<semaphore_mem>>)
    %dma_wait3A_325 = arith.constant 0 : i32
    %dma_wait3A_326 = arith.constant 0 : i32
    %dma_wait3A_327 = arith.constant 0 : i32
    %dma_wait3A_328 = tpu.memref_slice %arg6[%dma_wait3A_325, %dma_wait3A_326, %dma_wait3A_327] : memref<3x512x64xf32, #tpu.memory_space<vmem>> -> memref<1x512x64xf32, #tpu.memory_space<vmem>>
    %dma_wait3A_329 = tpu.memref_squeeze %dma_wait3A_328 : memref<1x512x64xf32, #tpu.memory_space<vmem>> -> memref<512x64xf32, #tpu.memory_space<vmem>>
    %dma_wait3A_330 = arith.constant 0 : i32
    %dma_wait3A_331 = arith.constant 0 : i32
    %dma_wait3A_332 = tpu.memref_slice %arg4[%dma_wait3A_330, %dma_wait3A_331] : memref<819200x64xf32, #tpu.memory_space<hbm>> -> memref<512x64xf32, #tpu.memory_space<hbm>>
    %dma_wait3A_333 = arith.constant 0 : i32
    %dma_wait3A_334 = arith.constant 0 : i32
    %dma_wait3A_335 = tpu.memref_slice %arg6[%dma_wait3A_325, %dma_wait3A_333, %dma_wait3A_334] : memref<3x512x64xf32, #tpu.memory_space<vmem>> -> memref<1x512x64xf32, #tpu.memory_space<vmem>>
    %dma_wait3A_336 = tpu.memref_squeeze %dma_wait3A_335 : memref<1x512x64xf32, #tpu.memory_space<vmem>> -> memref<512x64xf32, #tpu.memory_space<vmem>>
    %dma_wait3A_337 = arith.constant 0 : i32
    %dma_wait3A_338 = arith.constant 0 : i32
    %dma_wait3A_339 = tpu.memref_slice %arg4[%dma_wait3A_337, %dma_wait3A_338] : memref<819200x64xf32, #tpu.memory_space<hbm>> -> memref<512x64xf32, #tpu.memory_space<hbm>>
    tpu.wait_dma2 semaphore(%arg7 : memref<!tpu.dma_semaphore, #tpu.memory_space<semaphore_mem>>) src(%dma_wait3A_339 : memref<512x64xf32, #tpu.memory_space<hbm>>) dst(%dma_wait3A_336 : memref<512x64xf32, #tpu.memory_space<vmem>>)
    %add3A_340 = arith.constant 24576 : i32
    %add3A_341 = arith.addi %mul3A_2, %add3A_340 : i32
    %dma_start3A_342 = arith.constant 0 : i32
    %dma_start3A_343 = arith.constant 0 : i32
    %dma_start3A_344 = arith.constant 0 : i32
    %dma_start3A_345 = tpu.memref_slice %arg6[%dma_start3A_342, %dma_start3A_343, %dma_start3A_344] : memref<3x512x64xf32, #tpu.memory_space<vmem>> -> memref<1x512x64xf32, #tpu.memory_space<vmem>>
    %dma_start3A_346 = tpu.memref_squeeze %dma_start3A_345 : memref<1x512x64xf32, #tpu.memory_space<vmem>> -> memref<512x64xf32, #tpu.memory_space<vmem>>
    %dma_start3A_347 = arith.constant 0 : i32
    %dma_start3A_348 = tpu.memref_slice %arg4[%add3A_341, %dma_start3A_347] : memref<819200x64xf32, #tpu.memory_space<hbm>> -> memref<512x64xf32, #tpu.memory_space<hbm>>
    %dma_start3A_349 = arith.constant 0 : i32
    %dma_start3A_350 = tpu.memref_slice %arg4[%add3A_341, %dma_start3A_349] : memref<819200x64xf32, #tpu.memory_space<hbm>> -> memref<512x64xf32, #tpu.memory_space<hbm>>
    %dma_start3A_351 = arith.constant 0 : i32
    %dma_start3A_352 = arith.constant 0 : i32
    %dma_start3A_353 = tpu.memref_slice %arg6[%dma_start3A_342, %dma_start3A_351, %dma_start3A_352] : memref<3x512x64xf32, #tpu.memory_space<vmem>> -> memref<1x512x64xf32, #tpu.memory_space<vmem>>
    %dma_start3A_354 = tpu.memref_squeeze %dma_start3A_353 : memref<1x512x64xf32, #tpu.memory_space<vmem>> -> memref<512x64xf32, #tpu.memory_space<vmem>>
    tpu.enqueue_dma source(%dma_start3A_354 : memref<512x64xf32, #tpu.memory_space<vmem>>) target(%dma_start3A_350 : memref<512x64xf32, #tpu.memory_space<hbm>>) target_semaphore(%arg10 : memref<!tpu.dma_semaphore, #tpu.memory_space<semaphore_mem>>)
    %dma_wait3A_355 = arith.constant 2 : i32
    %dma_wait3A_356 = arith.constant 0 : i32
    %dma_wait3A_357 = arith.constant 0 : i32
    %dma_wait3A_358 = tpu.memref_slice %arg6[%dma_wait3A_355, %dma_wait3A_356, %dma_wait3A_357] : memref<3x512x64xf32, #tpu.memory_space<vmem>> -> memref<1x512x64xf32, #tpu.memory_space<vmem>>
    %dma_wait3A_359 = tpu.memref_squeeze %dma_wait3A_358 : memref<1x512x64xf32, #tpu.memory_space<vmem>> -> memref<512x64xf32, #tpu.memory_space<vmem>>
    %dma_wait3A_360 = arith.constant 0 : i32
    %dma_wait3A_361 = arith.constant 0 : i32
    %dma_wait3A_362 = tpu.memref_slice %arg4[%dma_wait3A_360, %dma_wait3A_361] : memref<819200x64xf32, #tpu.memory_space<hbm>> -> memref<512x64xf32, #tpu.memory_space<hbm>>
    %dma_wait3A_363 = arith.constant 0 : i32
    %dma_wait3A_364 = arith.constant 0 : i32
    %dma_wait3A_365 = tpu.memref_slice %arg6[%dma_wait3A_355, %dma_wait3A_363, %dma_wait3A_364] : memref<3x512x64xf32, #tpu.memory_space<vmem>> -> memref<1x512x64xf32, #tpu.memory_space<vmem>>
    %dma_wait3A_366 = tpu.memref_squeeze %dma_wait3A_365 : memref<1x512x64xf32, #tpu.memory_space<vmem>> -> memref<512x64xf32, #tpu.memory_space<vmem>>
    %dma_wait3A_367 = arith.constant 0 : i32
    %dma_wait3A_368 = arith.constant 0 : i32
    %dma_wait3A_369 = tpu.memref_slice %arg4[%dma_wait3A_367, %dma_wait3A_368] : memref<819200x64xf32, #tpu.memory_space<hbm>> -> memref<512x64xf32, #tpu.memory_space<hbm>>
    tpu.wait_dma2 semaphore(%arg12 : memref<!tpu.dma_semaphore, #tpu.memory_space<semaphore_mem>>) src(%dma_wait3A_369 : memref<512x64xf32, #tpu.memory_space<hbm>>) dst(%dma_wait3A_366 : memref<512x64xf32, #tpu.memory_space<vmem>>)
    %dma_wait3A_370 = arith.constant 1 : i32
    %dma_wait3A_371 = arith.constant 0 : i32
    %dma_wait3A_372 = arith.constant 0 : i32
    %dma_wait3A_373 = tpu.memref_slice %arg6[%dma_wait3A_370, %dma_wait3A_371, %dma_wait3A_372] : memref<3x512x64xf32, #tpu.memory_space<vmem>> -> memref<1x512x64xf32, #tpu.memory_space<vmem>>
    %dma_wait3A_374 = tpu.memref_squeeze %dma_wait3A_373 : memref<1x512x64xf32, #tpu.memory_space<vmem>> -> memref<512x64xf32, #tpu.memory_space<vmem>>
    %dma_wait3A_375 = arith.constant 0 : i32
    %dma_wait3A_376 = arith.constant 0 : i32
    %dma_wait3A_377 = tpu.memref_slice %arg4[%dma_wait3A_375, %dma_wait3A_376] : memref<819200x64xf32, #tpu.memory_space<hbm>> -> memref<512x64xf32, #tpu.memory_space<hbm>>
    %dma_wait3A_378 = arith.constant 0 : i32
    %dma_wait3A_379 = arith.constant 0 : i32
    %dma_wait3A_380 = tpu.memref_slice %arg6[%dma_wait3A_370, %dma_wait3A_378, %dma_wait3A_379] : memref<3x512x64xf32, #tpu.memory_space<vmem>> -> memref<1x512x64xf32, #tpu.memory_space<vmem>>
    %dma_wait3A_381 = tpu.memref_squeeze %dma_wait3A_380 : memref<1x512x64xf32, #tpu.memory_space<vmem>> -> memref<512x64xf32, #tpu.memory_space<vmem>>
    %dma_wait3A_382 = arith.constant 0 : i32
    %dma_wait3A_383 = arith.constant 0 : i32
    %dma_wait3A_384 = tpu.memref_slice %arg4[%dma_wait3A_382, %dma_wait3A_383] : memref<819200x64xf32, #tpu.memory_space<hbm>> -> memref<512x64xf32, #tpu.memory_space<hbm>>
    tpu.wait_dma2 semaphore(%arg8 : memref<!tpu.dma_semaphore, #tpu.memory_space<semaphore_mem>>) src(%dma_wait3A_384 : memref<512x64xf32, #tpu.memory_space<hbm>>) dst(%dma_wait3A_381 : memref<512x64xf32, #tpu.memory_space<vmem>>)
    %add3A_385 = arith.constant 25088 : i32
    %add3A_386 = arith.addi %mul3A_2, %add3A_385 : i32
    %dma_start3A_387 = arith.constant 1 : i32
    %dma_start3A_388 = arith.constant 0 : i32
    %dma_start3A_389 = arith.constant 0 : i32
    %dma_start3A_390 = tpu.memref_slice %arg6[%dma_start3A_387, %dma_start3A_388, %dma_start3A_389] : memref<3x512x64xf32, #tpu.memory_space<vmem>> -> memref<1x512x64xf32, #tpu.memory_space<vmem>>
    %dma_start3A_391 = tpu.memref_squeeze %dma_start3A_390 : memref<1x512x64xf32, #tpu.memory_space<vmem>> -> memref<512x64xf32, #tpu.memory_space<vmem>>
    %dma_start3A_392 = arith.constant 0 : i32
    %dma_start3A_393 = tpu.memref_slice %arg4[%add3A_386, %dma_start3A_392] : memref<819200x64xf32, #tpu.memory_space<hbm>> -> memref<512x64xf32, #tpu.memory_space<hbm>>
    %dma_start3A_394 = arith.constant 0 : i32
    %dma_start3A_395 = tpu.memref_slice %arg4[%add3A_386, %dma_start3A_394] : memref<819200x64xf32, #tpu.memory_space<hbm>> -> memref<512x64xf32, #tpu.memory_space<hbm>>
    %dma_start3A_396 = arith.constant 0 : i32
    %dma_start3A_397 = arith.constant 0 : i32
    %dma_start3A_398 = tpu.memref_slice %arg6[%dma_start3A_387, %dma_start3A_396, %dma_start3A_397] : memref<3x512x64xf32, #tpu.memory_space<vmem>> -> memref<1x512x64xf32, #tpu.memory_space<vmem>>
    %dma_start3A_399 = tpu.memref_squeeze %dma_start3A_398 : memref<1x512x64xf32, #tpu.memory_space<vmem>> -> memref<512x64xf32, #tpu.memory_space<vmem>>
    tpu.enqueue_dma source(%dma_start3A_399 : memref<512x64xf32, #tpu.memory_space<vmem>>) target(%dma_start3A_395 : memref<512x64xf32, #tpu.memory_space<hbm>>) target_semaphore(%arg11 : memref<!tpu.dma_semaphore, #tpu.memory_space<semaphore_mem>>)
    %dma_wait3A_400 = arith.constant 0 : i32
    %dma_wait3A_401 = arith.constant 0 : i32
    %dma_wait3A_402 = arith.constant 0 : i32
    %dma_wait3A_403 = tpu.memref_slice %arg6[%dma_wait3A_400, %dma_wait3A_401, %dma_wait3A_402] : memref<3x512x64xf32, #tpu.memory_space<vmem>> -> memref<1x512x64xf32, #tpu.memory_space<vmem>>
    %dma_wait3A_404 = tpu.memref_squeeze %dma_wait3A_403 : memref<1x512x64xf32, #tpu.memory_space<vmem>> -> memref<512x64xf32, #tpu.memory_space<vmem>>
    %dma_wait3A_405 = arith.constant 0 : i32
    %dma_wait3A_406 = arith.constant 0 : i32
    %dma_wait3A_407 = tpu.memref_slice %arg4[%dma_wait3A_405, %dma_wait3A_406] : memref<819200x64xf32, #tpu.memory_space<hbm>> -> memref<512x64xf32, #tpu.memory_space<hbm>>
    %dma_wait3A_408 = arith.constant 0 : i32
    %dma_wait3A_409 = arith.constant 0 : i32
    %dma_wait3A_410 = tpu.memref_slice %arg6[%dma_wait3A_400, %dma_wait3A_408, %dma_wait3A_409] : memref<3x512x64xf32, #tpu.memory_space<vmem>> -> memref<1x512x64xf32, #tpu.memory_space<vmem>>
    %dma_wait3A_411 = tpu.memref_squeeze %dma_wait3A_410 : memref<1x512x64xf32, #tpu.memory_space<vmem>> -> memref<512x64xf32, #tpu.memory_space<vmem>>
    %dma_wait3A_412 = arith.constant 0 : i32
    %dma_wait3A_413 = arith.constant 0 : i32
    %dma_wait3A_414 = tpu.memref_slice %arg4[%dma_wait3A_412, %dma_wait3A_413] : memref<819200x64xf32, #tpu.memory_space<hbm>> -> memref<512x64xf32, #tpu.memory_space<hbm>>
    tpu.wait_dma2 semaphore(%arg10 : memref<!tpu.dma_semaphore, #tpu.memory_space<semaphore_mem>>) src(%dma_wait3A_414 : memref<512x64xf32, #tpu.memory_space<hbm>>) dst(%dma_wait3A_411 : memref<512x64xf32, #tpu.memory_space<vmem>>)
    %dma_wait3A_415 = arith.constant 1 : i32
    %dma_wait3A_416 = arith.constant 0 : i32
    %dma_wait3A_417 = arith.constant 0 : i32
    %dma_wait3A_418 = tpu.memref_slice %arg6[%dma_wait3A_415, %dma_wait3A_416, %dma_wait3A_417] : memref<3x512x64xf32, #tpu.memory_space<vmem>> -> memref<1x512x64xf32, #tpu.memory_space<vmem>>
    %dma_wait3A_419 = tpu.memref_squeeze %dma_wait3A_418 : memref<1x512x64xf32, #tpu.memory_space<vmem>> -> memref<512x64xf32, #tpu.memory_space<vmem>>
    %dma_wait3A_420 = arith.constant 0 : i32
    %dma_wait3A_421 = arith.constant 0 : i32
    %dma_wait3A_422 = tpu.memref_slice %arg4[%dma_wait3A_420, %dma_wait3A_421] : memref<819200x64xf32, #tpu.memory_space<hbm>> -> memref<512x64xf32, #tpu.memory_space<hbm>>
    %dma_wait3A_423 = arith.constant 0 : i32
    %dma_wait3A_424 = arith.constant 0 : i32
    %dma_wait3A_425 = tpu.memref_slice %arg6[%dma_wait3A_415, %dma_wait3A_423, %dma_wait3A_424] : memref<3x512x64xf32, #tpu.memory_space<vmem>> -> memref<1x512x64xf32, #tpu.memory_space<vmem>>
    %dma_wait3A_426 = tpu.memref_squeeze %dma_wait3A_425 : memref<1x512x64xf32, #tpu.memory_space<vmem>> -> memref<512x64xf32, #tpu.memory_space<vmem>>
    %dma_wait3A_427 = arith.constant 0 : i32
    %dma_wait3A_428 = arith.constant 0 : i32
    %dma_wait3A_429 = tpu.memref_slice %arg4[%dma_wait3A_427, %dma_wait3A_428] : memref<819200x64xf32, #tpu.memory_space<hbm>> -> memref<512x64xf32, #tpu.memory_space<hbm>>
    tpu.wait_dma2 semaphore(%arg11 : memref<!tpu.dma_semaphore, #tpu.memory_space<semaphore_mem>>) src(%dma_wait3A_429 : memref<512x64xf32, #tpu.memory_space<hbm>>) dst(%dma_wait3A_426 : memref<512x64xf32, #tpu.memory_space<vmem>>)
    return
  }
}

</mosaic_0001>

<sc_bundles>
// kernel: kernel.3.cloned.1.call-start
scs
__scs_entry_jumppad:
0x0: {  	(pc) =	sbr.rel $0x88, $3  }
0x1: {  	(tag) =	ssettag $0x0;
	lr =	simm.s32 $0x1  }
0x2: {  	[smem:$0x3F9F] =	sst lr;
	_ =	strace $0xD0000000  }
0x3: {  	_ = 	snop  }
0x4: {  	_ = 	snop  }
0x5: {  	_ = 	snop  }
0x6: {  	_ = 	snop  }
0x7: {  	_ = 	snop  }
__scs_overlays_trampoline_lowered:
0x8: {  	[smem:$0x3FAE] =	sst s0  }
0x9: {  	[smem:$0x3FAF] =	sst s1  }
0xa: {  	[smem:$0x3FB0] =	sst s2  }
0xb: {  	[smem:$0x3FB1] =	sst s3  }
0xc: {  	[smem:$0x3FB2] =	sst s4  }
0xd: {  	[smem:$0x3FB3] =	sst s5  }
0xe: {  	[smem:$0x3FB4] =	sst s6  }
0xf: {  	[smem:$0x3FB5] =	sst s7  }
0x10: {  	[smem:$0x3FB6] =	sst s8  }
0x11: {  	[smem:$0x3FB7] =	sst s9;
	s0 =	simm.s32 @!p0 $0x0  }
0x12: {  	s1 =	sld [smem:$0x3F9D];
	s0 =	simm.s32 @p0 $0x1  }
0x13: {  	[smem:$0x3FB8] =	sst s0;
	s0 =	simm.s32 @!p1 $0x0  }
0x14: {  	s2 =	sld [smem:$0x3F9C];
	s0 =	simm.s32 @p1 $0x1  }
0x15: {  	[smem:$0x3FB9] =	sst s0;
	s0 =	simm.s32 @!p2 $0x0  }
0x16: {  	s3 =	sld [smem:$0x3FDB];
	s0 =	simm.s32 @p2 $0x1  }
0x17: {  	s4 =	simm.s32 $0x1BF5;
	[smem:$0x3FBB] =	sst s0  }
0x18: {  	s0 =	sld [smem:$0x3F9E];
	_ =	swait.ge [sflag:s4], $0x0  }
0x19: {  	s7 =	sld [smem:$0x3F9F]  }
0x1a: {  	s8 =	sadd.s32 $0xFFFFE003, lr  }
0x1b: {  	s9 =	sadd.s32 $0xFFFFFEF7, lr;
	s5 =	simm.s32 $0xFFFFFFFF;
	p2 =	slt.u32 s8, $0xFFFFF086  }
0x1c: {  	p1 =	slt.u32 s9, $0xF7A;
	s5 =	simm.s32 @!p2 $0x0  }
0x1d: {  	s5 =	simm.s32 @p1 $0x1;
	p0 =	seq.s32 s7, s2  }
0x1e: {  	s7 =	smul.u32 @!p0 $0xF7A, s2;
	p2 =	seq.s32 @!p0 s5, $0x0  }
0x1f: {  	s9 =	smul.u32 $0xF7A, s1;
	s8 =	simm.s32 @!p0 $0x1BF5;
	p2 =	por !p2, p0  }
0x20: {  	[sflag:s8] =	ssyncset.s32 @!p0 $0xFFFFF086;
	s6 =	sadd.s32 @!p0 s3, s7;
	s7 =	simm.s32 @!p0 $0x108  }
0x21: {  	s3 =	sadd.s32 s3, s9;
	s6 =	sadd.s32 @!p0 $0x88, s6;
	s7 =	simm.s32 @p2 $0x1082  }
0x22: {  	[simem:s7], [sflag:s8] =	dma.local @!p0 [hbm:s6], $0xF7A  }
0x23: {  	s9 =	sor.u32 $0xD0000000, s2;
	s6 =	simm.s32 $0x108;
	_ =	swait.ge @!p0 [sflag:s8], $0x0  }
0x24: {  	s3 =	sadd.s32 $0x88, s3;
	s6 =	simm.s32 @!p1 $0x1082;
	[sflag:s4] =	ssyncset.s32 $0xFFFFF086  }
0x25: {  	[simem:s6], [sflag:s4] =	dma.local [hbm:s3], $0xF7A  }
0x26: {  	[smem:$0x3F9F] =	sst s1;
	(tag) =	ssettag s2;
	_ =	strace s9  }
0x27: {  	s1 =	sld [smem:$0x3FAF]  }
0x28: {  	s2 =	sld [smem:$0x3FB0]  }
0x29: {  	s4 =	sld [smem:$0x3FB2]  }
0x2a: {  	p0 =	seq.s32 s5, $0x0;
	s5 =	sld [smem:$0x3FB3]  }
0x2b: {  	s6 =	sld [smem:$0x3FB4]  }
0x2c: {  	s7 =	sld [smem:$0x3FB5]  }
0x2d: {  	s3 =	simm.s32 $0x108;
	s8 =	sld [smem:$0x3FB6]  }
0x2e: {  	s3 =	simm.s32 @!p0 $0x1082;
	s9 =	sld [smem:$0x3FB7]  }
0x2f: {  	lr =	sadd.s32 s0, s3;
	s0 =	sld [smem:$0x3FAE]  }
0x30: {  	s3 =	sld [smem:$0x3FB1]  }
0x31: {  	[smem:$0x3FBA] =	sst s10  }
0x32: {  	s10 =	sld [smem:$0x3FB8];
	_ =	sdelay $0x3  }
0x33: {  	p0 =	seq.s32 s10, $0x1;
	s10 =	sld [smem:$0x3FBA];
	_ =	sdelay $0x3  }
0x34: {  	[smem:$0x3FBA] =	sst s10  }
0x35: {  	s10 =	sld [smem:$0x3FB9];
	_ =	sdelay $0x3  }
0x36: {  	p1 =	seq.s32 s10, $0x1;
	s10 =	sld [smem:$0x3FBA];
	_ =	sdelay $0x3  }
0x37: {  	[smem:$0x3FBA] =	sst s10  }
0x38: {  	s10 =	sld [smem:$0x3FBB]  }
0x39: {  	_ = 	snop;
	(pc) =	sbr.ind lr, $3  }
0x3a: {  	_ = 	snop  }
0x3b: {  	_ = 	snop  }
0x3c: {  	p2 =	seq.s32 s10, $0x1;
	s10 =	sld [smem:$0x3FBA]  }
0x3d: {  	_ =	shalt  }
0x3e: {  	_ =	shalt  }
0x3f: {  	_ =	shalt  }
0x40: {  	_ =	shalt  }
0x41: {  	_ =	shalt  }
0x42: {  	_ =	shalt  }
0x43: {  	_ =	shalt  }
0x44: {  	_ =	shalt  }
0x45: {  	_ =	shalt  }
0x46: {  	_ =	shalt  }
0x47: {  	_ =	shalt  }
0x48: {  	_ =	shalt  }
0x49: {  	_ =	shalt  }
0x4a: {  	_ =	shalt  }
0x4b: {  	_ =	shalt  }
0x4c: {  	_ =	shalt  }
0x4d: {  	_ =	shalt  }
0x4e: {  	_ =	shalt  }
0x4f: {  	_ =	shalt  }
0x50: {  	_ =	shalt  }
0x51: {  	_ =	shalt  }
0x52: {  	_ =	shalt  }
0x53: {  	_ =	shalt  }
0x54: {  	_ =	shalt  }
0x55: {  	_ =	shalt  }
0x56: {  	_ =	shalt  }
0x57: {  	_ =	shalt  }
0x58: {  	_ =	shalt  }
0x59: {  	_ =	shalt  }
0x5a: {  	_ =	shalt  }
0x5b: {  	_ =	shalt  }
0x5c: {  	_ =	shalt  }
0x5d: {  	_ =	shalt  }
0x5e: {  	_ =	shalt  }
0x5f: {  	_ =	shalt  }
0x60: {  	_ =	shalt  }
0x61: {  	_ =	shalt  }
0x62: {  	_ =	shalt  }
0x63: {  	_ =	shalt  }
0x64: {  	_ =	shalt  }
0x65: {  	_ =	shalt  }
0x66: {  	_ =	shalt  }
0x67: {  	_ =	shalt  }
0x68: {  	_ =	shalt  }
0x69: {  	_ =	shalt  }
0x6a: {  	_ =	shalt  }
0x6b: {  	_ =	shalt  }
0x6c: {  	_ =	shalt  }
0x6d: {  	_ =	shalt  }
0x6e: {  	_ =	shalt  }
0x6f: {  	_ =	shalt  }
0x70: {  	_ =	shalt  }
0x71: {  	_ =	shalt  }
0x72: {  	_ =	shalt  }
0x73: {  	_ =	shalt  }
0x74: {  	_ =	shalt  }
0x75: {  	_ =	shalt  }
0x76: {  	_ =	shalt  }
0x77: {  	_ =	shalt  }
0x78: {  	_ =	shalt  }
0x79: {  	_ =	shalt  }
0x7a: {  	_ =	shalt  }
0x7b: {  	_ =	shalt  }
0x7c: {  	_ =	shalt  }
0x7d: {  	_ =	shalt  }
0x7e: {  	_ =	shalt  }
0x7f: {  	_ =	shalt  }
0x80: {  	_ =	shalt  }
0x81: {  	_ =	shalt  }
0x82: {  	_ =	shalt  }
0x83: {  	_ =	shalt  }
0x84: {  	_ =	shalt  }
0x85: {  	_ =	shalt  }
0x86: {  	_ =	shalt  }
0x87: {  	_ =	shalt  }
.Lfunc_end0:
.L_simem_size_0:
called_computation.1_lowered:
.L_overlay_start_0:
0x88: {  	s2 =	sld [smem:$0x3FD9]  }
0x89: {  	s3 =	sld [smem:$0x3FFE];
	_ =	sdelay $0x1  }
0x8a: {  	s1 =	srdreg.scid  }
0x8b: {  	s0 =	sand.u32 $0x1, s1  }
0x8c: {  	s17 =	sshll.u32 s0, $0xA;
	s2 =	sadd.s32 s3, s2  }
0x8d: {  	s2 =	sadd.s32 s2, s17  }
0x8e: {  	[smem:$0x3FC6] =	sst s2  }
0x8f: {  	_ = 	snop  }
0x90: {  	s2 =	sld [smem:$0x3FD0];
	(tm) =	ssettm $0x1  }
0x91: {  	s18 =	sld [smem:$0x3FFB];
	_ =	sdelay $0x3  }
0x92: {  	_ =	strace s18  }
0x93: {  	s3 =	sld [smem:$0x3FFC];
	_ =	sdelay $0x3  }
0x94: {  	_ =	strace s3  }
0x95: {  	s3 =	sld [smem:$0x3FFD];
	_ =	sdelay $0x3  }
0x96: {  	_ =	strace s3  }
0x97: {  	_ =	strace $0x8FFFFFFF  }
0x98: {  	s19 =	sld [smem:$0x3FDB];
	_ =	sdelay $0x1  }
0x99: {  	s4 =	simm.s32 $_scs_section_size  }
0x9a: {  	s5 =	simm.s32 $_size__tile_overlayer_lowered;
	s6 =	simm.s32 $_tile_overlayer_lowered  }
0x9b: {  	s22 =	simm.s32 $0x1BFF;
	s21 =	sshll.u32 s6, $0x1;
	s3 =	sadd.s32 s4, s19  }
0x9c: {  	s7 =	simm.s32 $0x0;
	s20 =	sshll.u32 s5, $0x1;
	s5 =	sadd.s32 s21, s3  }
0x9d: {  	[timem:s7], [sflag:s22] =	dma.local [hbm:s5], s20  }
0x9e: {  	_ =	swait.ge [sflag:s22], s20  }
0x9f: {  	s4 =	ssub.s32 $0x0, s20;
	[sflag:s22] =	ssyncset.done $0x0  }
0xa0: {  	[sflag:s22] =	ssyncadd.s32 s4;
	_ =	sdelay $0x1  }
0xa1: {  	s23 =	simm.s32 $0x1B8B  }
0xa2: {  	_ =	swait.ge [sflag:s23], $0x1  }
0xa3: {  	[sflag:s23] =	ssyncset.done $0x0  }
0xa4: {  	s25 =	simm.s32 $0x1B8E;
	s24 =	sld [smem:$0x3FFE];
	[sflag:s23] =	ssyncadd.s32 $0xFFFFFFFF  }
0xa5: {  	s26 =	simm.s32 $execute0_lowered;
	[smem:$0x3FD2] =	sst s25  }
0xa6: {  	s5 =	sshll.u32 s26, $0x1;
	_ =	strace $0x80000046;
	[dreg:$0x1] =	wrdreg $0xFFFFFFFF  }
0xa7: {  	s28 =	simm.s32 $_size_execute0_lowered;
	s3 =	sadd.s32 s3, s5;
	[dreg:$0x0] =	wrdreg $0x0  }
0xa8: {  	s5 =	sshll.u32 s28, $0x1;
	[dreg:$0x2] =	wrdreg s3  }
0xa9: {  	[dreg:$0x3] =	wrdreg s5  }
0xaa: {  	[dreg:$0x4] =	wrdreg $0xC0  }
0xab: {  	_ =	task [dreg:s7], $0x5FFFF  }
0xac: {  	[dreg:$0x1] =	wrdreg $0xFFFFFFFF  }
0xad: {  	[dreg:$0x0] =	wrdreg $0x60  }
0xae: {  	[dreg:$0x2] =	wrdreg s24  }
0xaf: {  	[dreg:$0x3] =	wrdreg s2  }
0xb0: {  	[dreg:$0x4] =	wrdreg $0x9  }
0xb1: {  	_ =	task.clear_ibuf [dreg:s7], $0x5FFFF;
	_ =	strace $0x90000046  }
0xb2: {  	s29 =	simm.s32 $0x9;
	_ =	strace $0x80000048  }
0xb3: {  	_ =	swait.ge [sflag:s29], $0x1  }
0xb4: {  	[sflag:s29] =	ssyncadd.s32 $0xFFFFFFFF  }
0xb5: {  	_ =	strace $0x90000048  }
0xb6: {  	_ =	sfence  }
0xb7: {  	s30 =	sld [smem:$0x0];
	_ =	sdelay $0x2  }
0xb8: {  	s31 =	sshll.u32 s1, $0xD;
	s1 =	sshrl.u32 s1, $0x2  }
0xb9: {  	s3 =	sand.u32 $0x4000, s31;
	s1 =	sadd.s32 s1, s30  }
0xba: {  	s0 =	sor.u32 s3, s0;
	s1 =	sshll.u32 s1, $0x11  }
0xbb: {  	s0 =	sor.u32 s1, s0  }
0xbc: {  	s0 =	sadd.s32 $0x8F2B, s0  }
0xbd: {  	[sflag:s0] =	ssyncadd.remote.s32 $0x1  }
0xbe: {  	_ =	sfence.sel $0xFFFF  }
0xbf: {  	[dreg:$0x0] =	wrdreg $0xFFFFFFFF;
	(pc) =	sbr.abs _section_cstart, $3  }
0xc0: {  	[dreg:$0x1] =	wrdreg $0xFFFFFFFF  }
0xc1: {  	_ =	task.clear_ibuf [dreg:s7], $0x2FFFF;
	_ =	strace $0x9FFFFFFF  }
0xc2: {  	(tm) =	ssettm $0x7FFFFFFF  }
0xc3: {  	_ =	shalt  }
tec
execute0_lowered:
.L_overlay_start_1:
0x0: {  	(tag) =	ssettag $0x1  }
0x1: {  	s0 =	srdreg.scid  }
0x2: {  	s8 =	stileid.u32;
	s3 =	rddreg [dreg:$0x0]  }
0x3: {  	s4 =	rddreg [dreg:$0x1];
	s2 =	simm.s32 $0x0;
	s15 =	simm.s32 $0x80  }
0x4: {  	s16 =	simm.s32 $0x6400;
	s17 =	simm.s32 $0x8400;
	s19 =	simm.s32 $0xA400  }
0x5: {  	s21 =	simm.s32 $0xC400;
	s28 =	simm.s32 $0x12400;
	s30 =	simm.s32 $0x14400  }
0x6: {  	s0 =	sand.u32 $0x1, s0;
	s1 =	sshll.u32 s8, $0x1;
	s8 =	smul.u32 $0xC800, s8  }
0x7: {  	s1 =	sor.u32 s0, s1;
	s7 =	ssub.s32 $0x2, s0;
	s0 =	smul.u32 $0x6400, s0  }
0x8: {  	s31 =	simm.s32 $0x1;
	s20 =	simm.s32 $0x18400;
	s5 =	smul.u32 $0x6400, s1  }
0x9: {  	s29 =	simm.s32 $0x1C400;
	s18 =	simm.s32 $0x4;
	s6 =	smul.u32 $0x32000, s1  }
0xa: {  	[smem:$0x7FF] =	sst s2;
	s1 =	smul.u32 $0x190000, s1;
	s9 =	sshrl.u32 s7, $0x1  }
0xb: {  	_ =	strace $0x80000047;
	s7 =	ssub.s32 s7, s9;
	s0 =	sadd.s32 s0, s8  }
0xc: {  	s5 =	sshrl.u32 s5, $0x3;
	s1 =	sshrl.u32 s1, $0x3;
	s22 =	sadd.s32 s4, s6  }
0xd: {  	s0 =	sshll.u32 s0, $0x3;
	s26 =	smax.u32 s7, $0x1;
	s5 =	sadd.s32 s5, s3  }
0xe: {  	s3 =	sadd.s32 $0xF42E00, s3;
	s1 =	sadd.s32 s4, s1;
	[dreg:$0x4] =	wrdreg s22  }
0xf: {  	[dreg:$0x9] =	wrdreg s26;
	s0 =	sadd.s32 s4, s0;
	s22 =	simm.s32 $0x3  }
0x10: {  	s26 =	simm.s32 $0x5;
	s4 =	simm.s32 $0x6;
	s5 =	sadd.s32 $0xA00, s5  }
0x11: {  	s23 =	sadd.s32 $0x2E000, s1;
	s24 =	sadd.s32 $0x2F000, s1;
	[dreg:$0x3] =	wrdreg s5  }
0x12: {  	s25 =	sadd.s32 $0x30000, s1;
	s1 =	sadd.s32 $0x31000, s1;
	[dreg:$0x5] =	wrdreg s23  }
0x13: {  	s11 =	sadd.s32 $0x2000, s0;
	s12 =	sadd.s32 $0x1000, s0;
	[dreg:$0x6] =	wrdreg s24  }
0x14: {  	s13 =	sadd.s32 $0x3000, s0;
	s0 =	simm.s32 $0x16400;
	[dreg:$0x7] =	wrdreg s25  }
0x15: {  	[dreg:$0x8] =	wrdreg s1;
	s23 =	simm.s32 $0xE400;
	s25 =	simm.s32 $0x10400  }
0x16: {  	s24 =	simm.s32 $0x1A400;
	s1 =	simm.s32 $0x2;
	s5 =	simm.s32 $0x0  }
.LBB2_1:
0x17: {  	s6 =	rddreg [dreg:$0x3];
	s9 =	simm.s32 $0x7  }
0x18: {  	[tilespmem:s2], [sflag:$0x7] =	stream.linear.gather [hbm4b:s6+s2], $0x6400, $0x38;
	[tilespmem:$0x1E400] =	vst v63  }
0x19: {  	_ =	swait.ge [sflag:s9], $0x6400  }
0x1a: {  	[sflag:s9] =	ssyncset.done $0x0  }
0x1b: {  	[sflag:s9] =	ssyncadd.s32 $0xFFFF9C00  }
0x1c: {  	[tilespmem:s16], [sflag:$0x1] =	stream.indirect.gather [hbm4b:s3+s15], $0x40, s2, s15, $0xb8;
	[tilespmem:$0x1E400] =	vst v63  }
0x1d: {  	_ = 	snop  }
0x1e: {  	[tilespmem:s17], [sflag:$0x1] =	stream.indirect.gather [hbm4b:s3+s15], $0x40, s15, s15, $0xb8;
	[tilespmem:$0x1E400] =	vst v63  }
0x1f: {  	s10 =	simm.s32 $0x100  }
0x20: {  	[tilespmem:s19], [sflag:$0x1] =	stream.indirect.gather [hbm4b:s3+s15], $0x40, s10, s15, $0xb8;
	[tilespmem:$0x1E400] =	vst v63  }
0x21: {  	s14 =	simm.s32 $0x180  }
0x22: {  	[tilespmem:s21], [sflag:$0x1] =	stream.indirect.gather [hbm4b:s3+s15], $0x40, s14, s15, $0xb8;
	[tilespmem:$0x1E400] =	vst v63  }
0x23: {  	s7 =	simm.s32 $0x200  }
0x24: {  	[tilespmem:s23], [sflag:$0x2] =	stream.indirect.gather [hbm4b:s3+s15], $0x40, s7, s15, $0xb8;
	[tilespmem:$0x1E400] =	vst v63  }
0x25: {  	s8 =	simm.s32 $0x280  }
0x26: {  	[tilespmem:s25], [sflag:$0x2] =	stream.indirect.gather [hbm4b:s3+s15], $0x40, s8, s15, $0xb8;
	[tilespmem:$0x1E400] =	vst v63  }
0x27: {  	s9 =	simm.s32 $0x300  }
0x28: {  	[tilespmem:s28], [sflag:$0x2] =	stream.indirect.gather [hbm4b:s3+s15], $0x40, s9, s15, $0xb8;
	[tilespmem:$0x1E400] =	vst v63  }
0x29: {  	s10 =	simm.s32 $0x380  }
0x2a: {  	[tilespmem:s30], [sflag:$0x2] =	stream.indirect.gather [hbm4b:s3+s15], $0x40, s10, s15, $0xb8;
	[tilespmem:$0x1E400] =	vst v63  }
0x2b: {  	_ =	swait.ge [sflag:s31], $0x8000  }
0x2c: {  	[sflag:s31] =	ssyncset.done $0x0  }
0x2d: {  	s14 =	rddreg [dreg:$0x4];
	[sflag:s31] =	ssyncadd.s32 $0xFFFF8000  }
0x2e: {  	[hbm4b:s14+s2] =	stream.linear.scatter [tilespmem:s16], [sflag:$0x4], $0x8000, $0x38;
	[tilespmem:$0x1E400] =	vst v63  }
0x2f: {  	s7 =	simm.s32 $0x400  }
0x30: {  	[tilespmem:s0], [sflag:$0x3] =	stream.indirect.gather [hbm4b:s3+s15], $0x40, s7, s15, $0xb8;
	[tilespmem:$0x1E400] =	vst v63  }
0x31: {  	s8 =	simm.s32 $0x480  }
0x32: {  	[tilespmem:s20], [sflag:$0x3] =	stream.indirect.gather [hbm4b:s3+s15], $0x40, s8, s15, $0xb8;
	[tilespmem:$0x1E400] =	vst v63  }
0x33: {  	s9 =	simm.s32 $0x500  }
0x34: {  	[tilespmem:s24], [sflag:$0x3] =	stream.indirect.gather [hbm4b:s3+s15], $0x40, s9, s15, $0xb8;
	[tilespmem:$0x1E400] =	vst v63  }
0x35: {  	s10 =	simm.s32 $0x580  }
0x36: {  	[tilespmem:s29], [sflag:$0x3] =	stream.indirect.gather [hbm4b:s3+s15], $0x40, s10, s15, $0xb8;
	[tilespmem:$0x1E400] =	vst v63  }
0x37: {  	_ =	swait.ge [sflag:s1], $0x8000  }
0x38: {  	[sflag:s1] =	ssyncset.done $0x0  }
0x39: {  	[sflag:s1] =	ssyncadd.s32 $0xFFFF8000  }
0x3a: {  	[hbm4b:s12+s2] =	stream.linear.scatter [tilespmem:s23], [sflag:$0x5], $0x8000, $0x38;
	[tilespmem:$0x1E400] =	vst v63  }
0x3b: {  	_ =	swait.ge [sflag:s18], $0x8000  }
0x3c: {  	[sflag:s18] =	ssyncset.done $0x0  }
0x3d: {  	s14 =	simm.s32 $0x600;
	[sflag:s18] =	ssyncadd.s32 $0xFFFF8000  }
0x3e: {  	[tilespmem:s16], [sflag:$0x1] =	stream.indirect.gather [hbm4b:s3+s15], $0x40, s14, s15, $0xb8;
	[tilespmem:$0x1E400] =	vst v63  }
0x3f: {  	s7 =	simm.s32 $0x680  }
0x40: {  	[tilespmem:s17], [sflag:$0x1] =	stream.indirect.gather [hbm4b:s3+s15], $0x40, s7, s15, $0xb8;
	[tilespmem:$0x1E400] =	vst v63  }
0x41: {  	s8 =	simm.s32 $0x700  }
0x42: {  	[tilespmem:s19], [sflag:$0x1] =	stream.indirect.gather [hbm4b:s3+s15], $0x40, s8, s15, $0xb8;
	[tilespmem:$0x1E400] =	vst v63  }
0x43: {  	s9 =	simm.s32 $0x780  }
0x44: {  	[tilespmem:s21], [sflag:$0x1] =	stream.indirect.gather [hbm4b:s3+s15], $0x40, s9, s15, $0xb8;
	[tilespmem:$0x1E400] =	vst v63  }
0x45: {  	_ =	swait.ge [sflag:s22], $0x8000  }
0x46: {  	[sflag:s22] =	ssyncset.done $0x0  }
0x47: {  	[sflag:s22] =	ssyncadd.s32 $0xFFFF8000  }
0x48: {  	[hbm4b:s11+s2] =	stream.linear.scatter [tilespmem:s0], [sflag:$0x6], $0x8000, $0x38;
	[tilespmem:$0x1E400] =	vst v63  }
0x49: {  	_ =	swait.ge [sflag:s26], $0x8000  }
0x4a: {  	[sflag:s26] =	ssyncset.done $0x0  }
0x4b: {  	s10 =	simm.s32 $0x800;
	[sflag:s26] =	ssyncadd.s32 $0xFFFF8000  }
0x4c: {  	[tilespmem:s23], [sflag:$0x2] =	stream.indirect.gather [hbm4b:s3+s15], $0x40, s10, s15, $0xb8;
	[tilespmem:$0x1E400] =	vst v63  }
0x4d: {  	s14 =	simm.s32 $0x880  }
0x4e: {  	[tilespmem:s25], [sflag:$0x2] =	stream.indirect.gather [hbm4b:s3+s15], $0x40, s14, s15, $0xb8;
	[tilespmem:$0x1E400] =	vst v63  }
0x4f: {  	s7 =	simm.s32 $0x900  }
0x50: {  	[tilespmem:s28], [sflag:$0x2] =	stream.indirect.gather [hbm4b:s3+s15], $0x40, s7, s15, $0xb8;
	[tilespmem:$0x1E400] =	vst v63  }
0x51: {  	s8 =	simm.s32 $0x980  }
0x52: {  	[tilespmem:s30], [sflag:$0x2] =	stream.indirect.gather [hbm4b:s3+s15], $0x40, s8, s15, $0xb8;
	[tilespmem:$0x1E400] =	vst v63  }
0x53: {  	_ =	swait.ge [sflag:s31], $0x8000  }
0x54: {  	[sflag:s31] =	ssyncset.done $0x0  }
0x55: {  	[sflag:s31] =	ssyncadd.s32 $0xFFFF8000  }
0x56: {  	[hbm4b:s13+s2] =	stream.linear.scatter [tilespmem:s16], [sflag:$0x4], $0x8000, $0x38;
	[tilespmem:$0x1E400] =	vst v63  }
0x57: {  	_ =	swait.ge [sflag:s4], $0x8000  }
0x58: {  	[sflag:s4] =	ssyncset.done $0x0  }
0x59: {  	s6 =	simm.s32 $0x1800;
	s9 =	simm.s32 $0xA00;
	[sflag:s4] =	ssyncadd.s32 $0xFFFF8000  }
0x5a: {  	[tilespmem:s0], [sflag:$0x3] =	stream.indirect.gather [hbm4b:s3+s15], $0x40, s9, s15, $0xb8;
	[tilespmem:$0x1E400] =	vst v63  }
0x5b: {  	s10 =	simm.s32 $0xA80;
	s14 =	simm.s32 $0xB00;
	s7 =	sadd.s32 $0x3000, s13  }
0x5c: {  	[tilespmem:s20], [sflag:$0x3] =	stream.indirect.gather [hbm4b:s3+s15], $0x40, s10, s15, $0xb8;
	[tilespmem:$0x1E400] =	vst v63  }
0x5d: {  	s8 =	sadd.s32 $0x3000, s11;
	s9 =	sadd.s32 $0x3000, s12;
	s10 =	simm.s32 $0xB80  }
0x5e: {  	[tilespmem:s24], [sflag:$0x3] =	stream.indirect.gather [hbm4b:s3+s15], $0x40, s14, s15, $0xb8;
	[tilespmem:$0x1E400] =	vst v63  }
.LBB2_2:
0x5f: {  	[tilespmem:s29], [sflag:$0x3] =	stream.indirect.gather [hbm4b:s3+s15], $0x40, s10, s15, $0xb8;
	[tilespmem:$0x1E400] =	vst v63  }
0x60: {  	s10 =	smov.u32 s6  }
0x61: {  	p0 =	sne.s32 s6, $0x15000;
	s6 =	sadd.s32 $0x1800, s6;
	_ =	swait.ge [sflag:s1], $0x8000  }
0x62: {  	[sflag:s1] =	ssyncset.done $0x0  }
0x63: {  	[sflag:s1] =	ssyncadd.s32 $0xFFFF8000  }
0x64: {  	[hbm4b:s9+s2] =	stream.linear.scatter [tilespmem:s23], [sflag:$0x5], $0x8000, $0x38;
	[tilespmem:$0x1E400] =	vst v63  }
0x65: {  	_ =	swait.ge [sflag:s18], $0x8000  }
0x66: {  	s10 =	sshra.s32 s10, $0x2;
	[sflag:s18] =	ssyncset.done $0x0  }
0x67: {  	s14 =	sadd.s32 $0x600, s10;
	[sflag:s18] =	ssyncadd.s32 $0xFFFF8000  }
0x68: {  	[tilespmem:s16], [sflag:$0x1] =	stream.indirect.gather [hbm4b:s3+s15], $0x40, s14, s15, $0xb8;
	[tilespmem:$0x1E400] =	vst v63  }
0x69: {  	s14 =	sadd.s32 $0x680, s10  }
0x6a: {  	[tilespmem:s17], [sflag:$0x1] =	stream.indirect.gather [hbm4b:s3+s15], $0x40, s14, s15, $0xb8;
	[tilespmem:$0x1E400] =	vst v63  }
0x6b: {  	s14 =	sadd.s32 $0x700, s10  }
0x6c: {  	[tilespmem:s19], [sflag:$0x1] =	stream.indirect.gather [hbm4b:s3+s15], $0x40, s14, s15, $0xb8;
	[tilespmem:$0x1E400] =	vst v63  }
0x6d: {  	s14 =	sadd.s32 $0x780, s10  }
0x6e: {  	[tilespmem:s21], [sflag:$0x1] =	stream.indirect.gather [hbm4b:s3+s15], $0x40, s14, s15, $0xb8;
	[tilespmem:$0x1E400] =	vst v63  }
0x6f: {  	_ =	swait.ge [sflag:s22], $0x8000  }
0x70: {  	[sflag:s22] =	ssyncset.done $0x0  }
0x71: {  	[sflag:s22] =	ssyncadd.s32 $0xFFFF8000  }
0x72: {  	[hbm4b:s8+s2] =	stream.linear.scatter [tilespmem:s0], [sflag:$0x6], $0x8000, $0x38;
	[tilespmem:$0x1E400] =	vst v63  }
0x73: {  	_ =	swait.ge [sflag:s26], $0x8000  }
0x74: {  	[sflag:s26] =	ssyncset.done $0x0  }
0x75: {  	s14 =	sadd.s32 $0x800, s10;
	[sflag:s26] =	ssyncadd.s32 $0xFFFF8000  }
0x76: {  	[tilespmem:s23], [sflag:$0x2] =	stream.indirect.gather [hbm4b:s3+s15], $0x40, s14, s15, $0xb8;
	[tilespmem:$0x1E400] =	vst v63  }
0x77: {  	s14 =	sadd.s32 $0x880, s10  }
0x78: {  	[tilespmem:s25], [sflag:$0x2] =	stream.indirect.gather [hbm4b:s3+s15], $0x40, s14, s15, $0xb8;
	[tilespmem:$0x1E400] =	vst v63  }
0x79: {  	s14 =	sadd.s32 $0x900, s10  }
0x7a: {  	[tilespmem:s28], [sflag:$0x2] =	stream.indirect.gather [hbm4b:s3+s15], $0x40, s14, s15, $0xb8;
	[tilespmem:$0x1E400] =	vst v63  }
0x7b: {  	s14 =	sadd.s32 $0x980, s10  }
0x7c: {  	[tilespmem:s30], [sflag:$0x2] =	stream.indirect.gather [hbm4b:s3+s15], $0x40, s14, s15, $0xb8;
	[tilespmem:$0x1E400] =	vst v63  }
0x7d: {  	_ =	swait.ge [sflag:s31], $0x8000  }
0x7e: {  	[sflag:s31] =	ssyncset.done $0x0  }
0x7f: {  	[sflag:s31] =	ssyncadd.s32 $0xFFFF8000  }
0x80: {  	[hbm4b:s7+s2] =	stream.linear.scatter [tilespmem:s16], [sflag:$0x4], $0x8000, $0x38;
	[tilespmem:$0x1E400] =	vst v63  }
0x81: {  	_ =	swait.ge [sflag:s4], $0x8000  }
0x82: {  	[sflag:s4] =	ssyncset.done $0x0  }
0x83: {  	s14 =	sadd.s32 $0xA00, s10;
	[sflag:s4] =	ssyncadd.s32 $0xFFFF8000  }
0x84: {  	[tilespmem:s0], [sflag:$0x3] =	stream.indirect.gather [hbm4b:s3+s15], $0x40, s14, s15, $0xb8;
	[tilespmem:$0x1E400] =	vst v63  }
.Ltmp0:
0x85: {  	s14 =	sadd.s32 $0xA80, s10;
	(pc) =	sbr.rel @p0 .LBB2_2-.Ltmp0, $4  }
0x86: {  	[tilespmem:s20], [sflag:$0x3] =	stream.indirect.gather [hbm4b:s3+s15], $0x40, s14, s15, $0xb8;
	[tilespmem:$0x1E400] =	vst v63  }
0x87: {  	s7 =	sadd.s32 $0x3000, s7;
	s14 =	sadd.s32 $0xB00, s10  }
0x88: {  	[tilespmem:s24], [sflag:$0x3] =	stream.indirect.gather [hbm4b:s3+s15], $0x40, s14, s15, $0xb8;
	[tilespmem:$0x1E400] =	vst v63  }
0x89: {  	s9 =	sadd.s32 $0x3000, s9;
	s8 =	sadd.s32 $0x3000, s8;
	s10 =	sadd.s32 $0xB80, s10  }
0x8a: {  	[tilespmem:s29], [sflag:$0x3] =	stream.indirect.gather [hbm4b:s3+s15], $0x40, s10, s15, $0xb8;
	[tilespmem:$0x1E400] =	vst v63  }
0x8b: {  	_ =	swait.ge [sflag:s1], $0x8000  }
0x8c: {  	[sflag:s1] =	ssyncset.done $0x0  }
0x8d: {  	s6 =	rddreg [dreg:$0x5];
	[sflag:s1] =	ssyncadd.s32 $0xFFFF8000  }
0x8e: {  	[hbm4b:s6+s2] =	stream.linear.scatter [tilespmem:s23], [sflag:$0x5], $0x8000, $0x38;
	[tilespmem:$0x1E400] =	vst v63  }
0x8f: {  	_ =	swait.ge [sflag:s18], $0x8000  }
0x90: {  	[sflag:s18] =	ssyncset.done $0x0  }
0x91: {  	s10 =	simm.s32 $0x6000;
	[sflag:s18] =	ssyncadd.s32 $0xFFFF8000  }
0x92: {  	[tilespmem:s16], [sflag:$0x1] =	stream.indirect.gather [hbm4b:s3+s15], $0x40, s10, s15, $0xb8;
	[tilespmem:$0x1E400] =	vst v63  }
0x93: {  	s14 =	simm.s32 $0x6080  }
0x94: {  	[tilespmem:s17], [sflag:$0x1] =	stream.indirect.gather [hbm4b:s3+s15], $0x40, s14, s15, $0xb8;
	[tilespmem:$0x1E400] =	vst v63  }
0x95: {  	s7 =	simm.s32 $0x6100  }
0x96: {  	[tilespmem:s19], [sflag:$0x1] =	stream.indirect.gather [hbm4b:s3+s15], $0x40, s7, s15, $0xb8;
	[tilespmem:$0x1E400] =	vst v63  }
0x97: {  	s8 =	simm.s32 $0x6180  }
0x98: {  	[tilespmem:s21], [sflag:$0x1] =	stream.indirect.gather [hbm4b:s3+s15], $0x40, s8, s15, $0xb8;
	[tilespmem:$0x1E400] =	vst v63  }
0x99: {  	_ =	swait.ge [sflag:s22], $0x8000  }
0x9a: {  	[sflag:s22] =	ssyncset.done $0x0  }
0x9b: {  	s9 =	rddreg [dreg:$0x6];
	[sflag:s22] =	ssyncadd.s32 $0xFFFF8000  }
0x9c: {  	[hbm4b:s9+s2] =	stream.linear.scatter [tilespmem:s0], [sflag:$0x6], $0x8000, $0x38;
	[tilespmem:$0x1E400] =	vst v63  }
0x9d: {  	_ =	swait.ge [sflag:s26], $0x8000  }
0x9e: {  	[sflag:s26] =	ssyncset.done $0x0  }
0x9f: {  	s10 =	simm.s32 $0x6200;
	[sflag:s26] =	ssyncadd.s32 $0xFFFF8000  }
0xa0: {  	[tilespmem:s23], [sflag:$0x2] =	stream.indirect.gather [hbm4b:s3+s15], $0x40, s10, s15, $0xb8;
	[tilespmem:$0x1E400] =	vst v63  }
0xa1: {  	s14 =	simm.s32 $0x6280  }
0xa2: {  	[tilespmem:s25], [sflag:$0x2] =	stream.indirect.gather [hbm4b:s3+s15], $0x40, s14, s15, $0xb8;
	[tilespmem:$0x1E400] =	vst v63  }
0xa3: {  	s7 =	simm.s32 $0x6300  }
0xa4: {  	[tilespmem:s28], [sflag:$0x2] =	stream.indirect.gather [hbm4b:s3+s15], $0x40, s7, s15, $0xb8;
	[tilespmem:$0x1E400] =	vst v63  }
0xa5: {  	s8 =	simm.s32 $0x6380  }
0xa6: {  	[tilespmem:s30], [sflag:$0x2] =	stream.indirect.gather [hbm4b:s3+s15], $0x40, s8, s15, $0xb8;
	[tilespmem:$0x1E400] =	vst v63  }
0xa7: {  	_ =	swait.ge [sflag:s31], $0x8000  }
0xa8: {  	[sflag:s31] =	ssyncset.done $0x0  }
0xa9: {  	s9 =	rddreg [dreg:$0x7];
	[sflag:s31] =	ssyncadd.s32 $0xFFFF8000  }
0xaa: {  	[hbm4b:s9+s2] =	stream.linear.scatter [tilespmem:s16], [sflag:$0x4], $0x8000, $0x38;
	[tilespmem:$0x1E400] =	vst v63  }
0xab: {  	_ =	swait.ge [sflag:s4], $0x8000  }
0xac: {  	[sflag:s4] =	ssyncset.done $0x0  }
0xad: {  	[sflag:s4] =	ssyncadd.s32 $0xFFFF8000  }
0xae: {  	_ =	swait.ge [sflag:s1], $0x8000  }
0xaf: {  	[sflag:s1] =	ssyncset.done $0x0  }
0xb0: {  	s10 =	rddreg [dreg:$0x8];
	[sflag:s1] =	ssyncadd.s32 $0xFFFF8000  }
0xb1: {  	[hbm4b:s10+s2] =	stream.linear.scatter [tilespmem:s23], [sflag:$0x5], $0x8000, $0x38;
	[tilespmem:$0x1E400] =	vst v63  }
0xb2: {  	_ =	swait.ge [sflag:s18], $0x8000  }
0xb3: {  	[sflag:s18] =	ssyncset.done $0x0  }
0xb4: {  	[sflag:s18] =	ssyncadd.s32 $0xFFFF8000  }
0xb5: {  	_ =	swait.ge [sflag:s26], $0x8000  }
0xb6: {  	s5 =	sadd.s32 $0x1, s5;
	s14 =	rddreg [dreg:$0x9]  }
0xb7: {  	p0 =	sne.s32 s5, s14  }
.Ltmp1:
0xb8: {  	_ = 	snop;
	(pc) =	sbr.rel @p0 .LBB2_1-.Ltmp1, $3  }
0xb9: {  	_ =	sdelay $0x1  }
0xba: {  	[sflag:s26] =	ssyncset.done $0x0  }
0xbb: {  	[sflag:s26] =	ssyncadd.s32 $0xFFFF8000  }
0xbc: {  	_ =	sfence.sel $0x180000  }
0xbd: {  	[bflag:$0x0] =	sbarrier.arrive $0xFFFF  }
0xbe: {  	_ =	strace $0x90000047  }
0xbf: {  	s0 =	stileid.u32;
	[bflag:$0x2] =	sbarrier.arrive $0xFFFF  }
0xc0: {  	p0 =	sne.s32 s0, $0x0;
	s0 =	rddreg [dreg:$0x2]  }
0xc1: {  	s0 =	sadd.s32 @!p0 $0x100000, s0  }
0xc2: {  	[sflag:s0] =	ssyncadd.tile.s32 @!p0 $0x1;
	_ =	shalt  }
.Lfunc_end2:
_tile_overlayer_lowered:
.L_overlay_start_2:
0xc3: {  	(tag) =	ssettag $0x2  }
0xc4: {  	s0 =	rddreg [dreg:$0x0];
	s2 =	stileid.u32  }
0xc5: {  	s1 =	rddreg [dreg:$0x1];
	p0 =	sne.s32 s2, $0x0  }
0xc6: {  	s3 =	rddreg [dreg:$0x2];
	[bflag:$0x3] =	sbarrier.arrive $0xFFFF;
	s2 =	simm.s32 @!p0 $0x1C07  }
0xc7: {  	[timem:s3], [sflag:s2] =	dma.local @!p0 [hbm:s0], s1  }
0xc8: {  	s0 =	simm.s32 @!p0 $0x7  }
0xc9: {  	_ =	swait.ge @!p0 [sflag:s0], s1  }
0xca: {  	s1 =	ssub.s32 @!p0 $0x0, s1;
	[sflag:s0] =	ssyncset.done @!p0 $0x0  }
0xcb: {  	[sflag:s0] =	ssyncadd.s32 @!p0 s1  }
0xcc: {  	[bflag:$0x3] =	sbarrier.arrive $0xFFFF  }
0xcd: {  	_ =	shalt  }

// kernel: sparse-core-data-format-call.cloned.1.call-start
scs
called_computation_lowered:
.L_overlay_start_0:
0x0: {  	s2 =	sld [smem:$0x3FD9]  }
0x1: {  	s3 =	sld [smem:$0x3FFE];
	_ =	sdelay $0x1  }
0x2: {  	s1 =	srdreg.scid  }
0x3: {  	s0 =	sand.u32 $0x1, s1  }
0x4: {  	s18 =	sshll.u32 s0, $0xA;
	s2 =	sadd.s32 s3, s2  }
0x5: {  	s2 =	sadd.s32 s2, s18  }
0x6: {  	[smem:$0x3FC6] =	sst s2  }
0x7: {  	_ = 	snop  }
0x8: {  	s2 =	sld [smem:$0x3FD0];
	(tm) =	ssettm $0x1  }
0x9: {  	s19 =	sld [smem:$0x3FFB];
	_ =	sdelay $0x3  }
0xa: {  	_ =	strace s19  }
0xb: {  	s3 =	sld [smem:$0x3FFC];
	_ =	sdelay $0x3  }
0xc: {  	_ =	strace s3  }
0xd: {  	s3 =	sld [smem:$0x3FFD];
	_ =	sdelay $0x3  }
0xe: {  	_ =	strace s3  }
0xf: {  	_ =	strace $0x8FFFFFFF  }
0x10: {  	s20 =	sld [smem:$0x3FDB];
	_ =	sdelay $0x1  }
0x11: {  	s4 =	simm.s32 $_scs_section_size  }
0x12: {  	s5 =	simm.s32 $_size__tile_overlayer_lowered;
	s6 =	simm.s32 $_tile_overlayer_lowered  }
0x13: {  	s23 =	simm.s32 $0x1BFF;
	s22 =	sshll.u32 s6, $0x1;
	s3 =	sadd.s32 s4, s20  }
0x14: {  	s7 =	simm.s32 $0x0;
	s21 =	sshll.u32 s5, $0x1;
	s5 =	sadd.s32 s22, s3  }
0x15: {  	[timem:s7], [sflag:s23] =	dma.local [hbm:s5], s21  }
0x16: {  	_ =	swait.ge [sflag:s23], s21  }
0x17: {  	s4 =	ssub.s32 $0x0, s21;
	[sflag:s23] =	ssyncset.done $0x0  }
0x18: {  	[sflag:s23] =	ssyncadd.s32 s4;
	_ =	sdelay $0x1  }
0x19: {  	s24 =	simm.s32 $0x1B8B  }
0x1a: {  	_ =	swait.ge [sflag:s24], $0x1  }
0x1b: {  	[sflag:s24] =	ssyncset.done $0x0  }
0x1c: {  	s26 =	simm.s32 $0x1B8E;
	s25 =	sld [smem:$0x3FFE];
	[sflag:s24] =	ssyncadd.s32 $0xFFFFFFFF  }
0x1d: {  	s27 =	simm.s32 $execute0_lowered;
	[smem:$0x3FD2] =	sst s26  }
0x1e: {  	s5 =	sshll.u32 s27, $0x1;
	_ =	strace $0x80000049;
	[dreg:$0x1] =	wrdreg $0xFFFFFFFF  }
0x1f: {  	s28 =	simm.s32 $_size_execute0_lowered;
	s3 =	sadd.s32 s3, s5;
	[dreg:$0x0] =	wrdreg $0x0  }
0x20: {  	s5 =	sshll.u32 s28, $0x1;
	[dreg:$0x2] =	wrdreg s3  }
0x21: {  	[dreg:$0x3] =	wrdreg s5  }
0x22: {  	[dreg:$0x4] =	wrdreg $0xC0  }
0x23: {  	_ =	task [dreg:s7], $0x5FFFF  }
0x24: {  	[dreg:$0x1] =	wrdreg $0xFFFFFFFF  }
0x25: {  	[dreg:$0x0] =	wrdreg $0x60  }
0x26: {  	[dreg:$0x2] =	wrdreg s25  }
0x27: {  	[dreg:$0x3] =	wrdreg s2  }
0x28: {  	[dreg:$0x4] =	wrdreg $0x9  }
0x29: {  	_ =	task.clear_ibuf [dreg:s7], $0x5FFFF;
	_ =	strace $0x90000049  }
0x2a: {  	s29 =	simm.s32 $0x9;
	_ =	strace $0x8000004B  }
0x2b: {  	_ =	swait.ge [sflag:s29], $0x1  }
0x2c: {  	[sflag:s29] =	ssyncadd.s32 $0xFFFFFFFF  }
0x2d: {  	_ =	strace $0x9000004B  }
0x2e: {  	_ =	sfence  }
0x2f: {  	s30 =	sld [smem:$0x0];
	_ =	sdelay $0x2  }
0x30: {  	s31 =	sshll.u32 s1, $0xD;
	s1 =	sshrl.u32 s1, $0x2  }
0x31: {  	s3 =	sand.u32 $0x4000, s31;
	s1 =	sadd.s32 s1, s30  }
0x32: {  	s0 =	sor.u32 s3, s0;
	s1 =	sshll.u32 s1, $0x11  }
0x33: {  	s0 =	sor.u32 s1, s0  }
0x34: {  	s0 =	sadd.s32 $0x8F2B, s0  }
0x35: {  	[sflag:s0] =	ssyncadd.remote.s32 $0x1  }
0x36: {  	_ =	sfence.sel $0xFFFF  }
0x37: {  	[dreg:$0x0] =	wrdreg $0xFFFFFFFF;
	(pc) =	sbr.abs _section_cstart, $3  }
0x38: {  	[dreg:$0x1] =	wrdreg $0xFFFFFFFF  }
0x39: {  	_ =	task.clear_ibuf [dreg:s7], $0x2FFFF;
	_ =	strace $0x9FFFFFFF  }
0x3a: {  	(tm) =	ssettm $0x7FFFFFFF  }
0x3b: {  	_ =	shalt  }
tec
execute0_lowered:
.L_overlay_start_1:
0x0: {  	(tag) =	ssettag $0x1  }
0x1: {  	s0 =	srdreg.scid  }
0x2: {  	s1 =	sshll.u32 s0, $0x4  }
0x3: {  	s0 =	stileid.u32;
	s1 =	sand.u32 $0x10, s1  }
0x4: {  	s1 =	sor.u32 s0, s1  }
0x5: {  	s6 =	rddreg [dreg:$0x0];
	s4 =	simm.s32 $0x1;
	s2 =	sshll.u32 s1, $0x7  }
0x6: {  	s7 =	simm.s32 $0x2;
	s12 =	simm.s32 $0x0;
	s1 =	ssub.s32 $0x4000, s2  }
0x7: {  	s8 =	simm.s32 $0x20000;
	s13 =	simm.s32 $0x0;
	s3 =	sand.u32 $0xF80, s1  }
0x8: {  	s9 =	simm.s32 $0x0;
	s5 =	sshrl.u32 s1, $0xC;
	p0 =	sne.s32 s3, $0x0  }
.Ltmp0:
0x9: {  	s1 =	rddreg [dreg:$0x2];
	s4 =	simm.s32 @!p0 $0x0;
	(pc) =	sbr.rel .LBB1_1-.Ltmp0, $4  }
0xa: {  	s11 =	simm.s32 $0x0;
	s3 =	rddreg [dreg:$0x1];
	s5 =	sadd.s32 s4, s5  }
0xb: {  	_ =	strace $0x8000004A;
	s4 =	simm.s32 $0x1;
	s5 =	smul.u32 $0x32, s5  }
0xc: {  	s6 =	sadd.s32 $0xA00, s6;
	s10 =	smov.u32 s2;
	[sflag:s4] =	ssyncpa.u1 $0x0  }
0xd: {  	p0 =	por $0x0, $0x0;
	[sflag:s7] =	ssyncpa.u1 $0x0;
	s7 =	sor.u32 $0x1, s5  }
.LBB1_4:
0xe: {  	s16 =	sshll.u32 s13, $0x3;
	s17 =	sand.u32 $0x78, s13  }
0xf: {  	s30 =	sand.u32 $0x1F800, s13;
	s12 =	sshll.u32 s12, $0x11;
	s16 =	sand.u32 $0x3C00, s16  }
0x10: {  	[tilespmem:s15+$0x810 ss:$0x81] =	vst.msk $0xffff, v2;
	s31 =	sand.u32 $0x7, s13;
	s16 =	sor.u32 s17, s16;
	s17 =	sadd.s32 s3, s30  }
0x11: {  	[tilespmem:s15+$0x1020 ss:$0x81] =	vst.msk $0xffff, v0;
	s13 =	sshll.u32 s31, $0x12;
	s12 =	sadd.s32 s12, s17;
	s16 =	sshrl.u32 s16, $0x3  }
0x12: {  	[tilespmem:s15+$0x0 ss:$0x81] =	vst.msk $0xffff, v1;
	s13 =	sor.u32 $0x400, s13;
	s12 =	sadd.s32 s16, s12  }
0x13: {  	[hbm4b:s12+s13] =	stream.strided.scatter [tilespmem:s14], [sflag:$0x2], $0x2000, s8, s13, $0x20;
	[tilespmem:$0x8080] =	vst v63  }
.LBB1_5:
0x14: {  	s14 =	sadd.s32 $0x1, s9  }
0x15: {  	s12 =	sadd.s32 $0x1000, s10;
	s16 =	smov.u32 s10;
	p2 =	sgt.s32 s14, $0x31  }
0x16: {  	s16 =	smov.u32 @p2 s12  }
0x17: {  	s14 =	simm.s32 @p2 $0x0;
	p2 =	sgt.s32 s16, $0x3FFF  }
0x18: {  	s16 =	smov.u32 @p2 s2;
	p2 =	sne.s32 s11, s7  }
.Ltmp1:
0x19: {  	p1 =	slt.u32 s11, $0x2;
	(pc) =	sbr.rel @!p2 .LBB1_6-.Ltmp1, $4  }
0x1a: {  	s15 =	simm.s32 @!p1 $0x2  }
0x1b: {  	s13 =	smov.u32 s10;
	p0 =	por !p0, !p0;
	_ =	swait.ge @!p1 [sflag:s15], $0x2000  }
0x1c: {  	s12 =	smov.u32 s9;
	[sflag:s15] =	ssyncset.done @!p1 $0x0;
	s9 =	smov.u32 s14  }
0x1d: {  	s11 =	sadd.s32 $0x1, s11;
	[sflag:s15] =	ssyncadd.s32 @!p1 $0xFFFFE000;
	s10 =	smov.u32 s16  }
.LBB1_1:
0x1e: {  	p1 =	sge.u32 s11, s5  }
0x1f: {  	s14 =	sand.u32 @!p1 $0x1FFFFFF, s9  }
0x20: {  	s15 =	smulhi.u32 @!p1 $0x4924925, s14;
	_ =	sdelay $0x1  }
0x21: {  	s15 =	smul.u32 @!p1 $0x38, s15  }
0x22: {  	s16 =	sxor.u32 @!p1 $0xFFFFFFFF, s11;
	s17 =	smul.u32 @!p1 $0x380, s10  }
0x23: {  	s31 =	sadd.s32 $0xFFFFFFFF, s11;
	s16 =	sshll.u32 @!p1 s16, $0xD;
	s14 =	ssub.s32 @!p1 s14, s15  }
0x24: {  	s15 =	sand.u32 @!p1 $0x2000, s16;
	s16 =	sadd.s32 @!p1 s6, s17;
	s14 =	sshll.u32 @!p1 s14, $0x4  }
0x25: {  	s17 =	simm.s32 @!p1 $0x1C00;
	s14 =	sadd.s32 @!p1 s14, s16;
	s16 =	simm.s32 @!p1 $0x40  }
0x26: {  	[tilespmem:s15], [sflag:$0x1] =	stream.strided.gather @!p1 [hbm4b:s14+s16], $0x2000, s17, s16, $0x38;
	[tilespmem:$0x8080] =	vst v63  }
0x27: {  	p1 =	sge.u32 s31, s5  }
.Ltmp2:
0x28: {  	_ = 	snop;
	(pc) =	sbr.rel @p1 .LBB1_5-.Ltmp2, $1  }
0x29: {  	_ =	sdelay $0x3  }
0x2a: {  	s14 =	simm.s32 $0x1  }
0x2b: {  	_ =	swait.ge [sflag:s4], $0x2000;
	s14 =	simm.s32 @!p0 $0x0  }
0x2c: {  	[sflag:s4] =	ssyncset.done $0x0;
	s15 =	sshll.u32 s14, $0xD  }
0x2d: {  	[sflag:s4] =	ssyncadd.s32 $0xFFFFE000;
	s18 =	sor.u32 $0x20, s15  }
0x2e: {  	s14 =	smul.u32 $0x8100, s14;
	v3 =	vld [tilespmem:s18+$0x10]  }
0x2f: {  	s30 =	sand.u32 $0x1, s11;
	v2 =	vld [tilespmem:s18+$0xFFFFFFF0]  }
0x30: {  	s15 =	smul.u32 $0x8100, s30;
	s14 =	sshrl.u32 s14, $0x2;
	v0 =	vld [tilespmem:s18+$0x0]  }
0x31: {  	v1 =	vld [tilespmem:s18+$0xFFFFFFE0];
	s16 =	sor.u32 $0x4000, s14  }
0x32: {  	s31 =	sshrl.u32 s15, $0x2;
	s15 =	sadd.s32 $0x0, s16  }
0x33: {  	s17 =	simm.s32 $0x4;
	s18 =	sadd.s32 $0x40, s18;
	s14 =	sor.u32 $0x4000, s31;
	[tilespmem:s15+$0x1830 ss:$0x81] =	vst.msk $0xffff, v3  }
.LBB1_3:
0x34: {  	v3 =	vld [tilespmem:s18+$0x10];
	p1 =	sne.s32 s17, $0x1FC;
	[tilespmem:s15+$0x810 ss:$0x81] =	vst.msk $0xffff, v2;
	s19 =	smov.u32 s17;
	s17 =	sadd.s32 $0x4, s17  }
.Ltmp3:
0x35: {  	v2 =	vld [tilespmem:s18+$0xFFFFFFF0];
	[tilespmem:s15+$0x1020 ss:$0x81] =	vst.msk $0xffff, v0;
	(pc) =	sbr.rel @p1 .LBB1_3-.Ltmp3, $4  }
0x36: {  	v0 =	vld [tilespmem:s18+$0x0];
	[tilespmem:s15+$0x0 ss:$0x81] =	vst.msk $0xffff, v1  }
0x37: {  	s15 =	sshra.s32 s19, $0x2;
	v1 =	vld [tilespmem:s18+$0xFFFFFFE0]  }
0x38: {  	s15 =	sadd.s32 s15, s16  }
0x39: {  	s18 =	sadd.s32 $0x40, s18;
	[tilespmem:s15+$0x1830 ss:$0x81] =	vst.msk $0xffff, v3  }
.Ltmp4:
0x3a: {  	_ = 	snop;
	(pc) =	sbr.rel .LBB1_4-.Ltmp4, $1  }
0x3b: {  	_ =	sdelay $0x3  }
.LBB1_6:
0x3c: {  	_ =	sfence.sel $0x180000  }
0x3d: {  	s2 =	simm.s32 $0x1;
	[bflag:$0x0] =	sbarrier.arrive $0xFFFF  }
0x3e: {  	s31 =	simm.s32 $0x2;
	[sflag:s2] =	ssyncpa.u1 $0x1  }
0x3f: {  	[sflag:s31] =	ssyncpa.u1 $0x1  }
0x40: {  	p0 =	sne.s32 s0, $0x0;
	_ =	strace $0x9000004A  }
0x41: {  	s0 =	sadd.s32 @!p0 $0x100000, s1;
	[bflag:$0x2] =	sbarrier.arrive $0xFFFF  }
0x42: {  	[sflag:s0] =	ssyncadd.tile.s32 @!p0 $0x1;
	_ =	shalt  }
.Lfunc_end1:
_tile_overlayer_lowered:
.L_overlay_start_2:
0x43: {  	(tag) =	ssettag $0x2  }
0x44: {  	s0 =	rddreg [dreg:$0x0];
	s2 =	stileid.u32  }
0x45: {  	s1 =	rddreg [dreg:$0x1];
	p0 =	sne.s32 s2, $0x0  }
0x46: {  	s3 =	rddreg [dreg:$0x2];
	[bflag:$0x3] =	sbarrier.arrive $0xFFFF;
	s2 =	simm.s32 @!p0 $0x1C01  }
0x47: {  	[timem:s3], [sflag:s2] =	dma.local @!p0 [hbm:s0], s1  }
0x48: {  	s0 =	simm.s32 @!p0 $0x1  }
0x49: {  	_ =	swait.ge @!p0 [sflag:s0], s1  }
0x4a: {  	s1 =	ssub.s32 @!p0 $0x0, s1;
	[sflag:s0] =	ssyncset.done @!p0 $0x0  }
0x4b: {  	[sflag:s0] =	ssyncadd.s32 @!p0 s1  }
0x4c: {  	[bflag:$0x3] =	sbarrier.arrive $0xFFFF  }
0x4d: {  	_ =	shalt  }

</sc_bundles>
